<compile_context>
chip_gen: v7x
topology: tpu7x:2x2x1
jax: 0.10.2.dev20260603
libtpu: 0.0.44.dev20260713+nightly
codegen_flags: <defaults>
</compile_context>

<pallas_src>
import functools

import jax
import jax.numpy as jnp
from jax import lax
from jax.experimental import pallas as pl
from jax.experimental.pallas import tpu as pltpu
from jax.experimental.pallas import tpu_sc as plsc

N = 10000
D = 128
H1 = 512
H2 = 64

NC = 2
NS = 16
NW = NC * NS
CHUNK = 128
N_PAD = 10112
RPT = N_PAD // NS

_MESH = dict(core_axis_name="c", subcore_axis_name="s")


def _sc_degree(dstp, ones_rows, zeros_d, *, G):
  E_pt = G * CHUNK

  @functools.partial(
      pl.kernel,
      out_type=jax.ShapeDtypeStruct((NC * N_PAD, D), jnp.float32),
      mesh=plsc.VectorSubcoreMesh(**_MESH),
      scratch_types=[
          pltpu.VMEM((2, CHUNK), jnp.int32),
          pltpu.VMEM((CHUNK, D), jnp.float32),
          pltpu.SemaphoreType.DMA,
          pltpu.SemaphoreType.DMA,
          pltpu.VMEM_SHARED((N_PAD, D), jnp.float32),
      ],
  )
  def k(dst_hbm, ones_hbm, zeros_hbm, out_hbm,
        didx_v, ones_v, sem_a, sem_b, deg_sh):
    c = lax.axis_index("c")
    s = lax.axis_index("s")
    pltpu.sync_copy(zeros_hbm.at[pl.ds(s * RPT, RPT)],
                    deg_sh.at[pl.ds(s * RPT, RPT)])
    pltpu.sync_copy(ones_hbm, ones_v)
    plsc.subcore_barrier()
    base = (s * NC + c) * E_pt
    sem_i = (sem_a, sem_b)

    def idx_fire(g, b):
      pltpu.async_copy(dst_hbm.at[pl.ds(base + g * CHUNK, CHUNK)],
                       didx_v.at[b], sem_i[b])

    def idx_wait(b):
      pltpu.make_async_copy(dst_hbm.at[pl.ds(0, CHUNK)], didx_v.at[b],
                            sem_i[b]).wait()

    def scat(b):
      pltpu.sync_copy(ones_v, deg_sh.at[didx_v.at[b]], add=True)

    idx_fire(0, 0)

    def body(t, carry):
      g = 2 * t
      idx_wait(0)
      idx_fire(g + 1, 1)
      scat(0)
      idx_wait(1)
      idx_fire(g + 2, 0)
      scat(1)
      return carry

    lax.fori_loop(0, G // 2, body, 0)
    idx_wait(0)
    plsc.subcore_barrier()
    pltpu.sync_copy(deg_sh.at[pl.ds(s * RPT, RPT)],
                    out_hbm.at[pl.ds(c * N_PAD + s * RPT, RPT)])

  return k(dstp, ones_rows, zeros_d)


def _sc_aggregate(y, srcp, dstp, zeros_d, *, G):
  E_pt = G * CHUNK

  @functools.partial(
      pl.kernel,
      out_type=jax.ShapeDtypeStruct((NC * N_PAD, D), jnp.float32),
      mesh=plsc.VectorSubcoreMesh(**_MESH),
      scratch_types=[
          pltpu.VMEM((2, CHUNK), jnp.int32),
          pltpu.VMEM((2, CHUNK), jnp.int32),
          pltpu.VMEM((CHUNK, D), jnp.float32),
          pltpu.VMEM((CHUNK, D), jnp.float32),
          pltpu.SemaphoreType.DMA,
          pltpu.SemaphoreType.DMA,
          pltpu.SemaphoreType.DMA,
          pltpu.SemaphoreType.DMA,
          pltpu.VMEM_SHARED((N_PAD, D), jnp.float32),
      ],
  )
  def k(y_hbm, src_hbm, dst_hbm, zeros_hbm, out_hbm,
        sidx_v, didx_v, rows_a, rows_b, sem_ia, sem_ib, sem_ra, sem_rb, z_sh):
    c = lax.axis_index("c")
    s = lax.axis_index("s")
    pltpu.sync_copy(zeros_hbm.at[pl.ds(s * RPT, RPT)],
                    z_sh.at[pl.ds(s * RPT, RPT)])
    plsc.subcore_barrier()
    base = (s * NC + c) * E_pt
    rows = (rows_a, rows_b)
    sem_i = (sem_ia, sem_ib)
    sem_r = (sem_ra, sem_rb)

    def idx_fire(g, b):
      off = base + g * CHUNK
      pltpu.async_copy(src_hbm.at[pl.ds(off, CHUNK)], sidx_v.at[b], sem_i[b])
      pltpu.async_copy(dst_hbm.at[pl.ds(off, CHUNK)], didx_v.at[b], sem_i[b])

    def idx_wait(b):
      pltpu.make_async_copy(src_hbm.at[pl.ds(0, CHUNK)], sidx_v.at[b],
                            sem_i[b]).wait()
      pltpu.make_async_copy(src_hbm.at[pl.ds(0, CHUNK)], didx_v.at[b],
                            sem_i[b]).wait()

    def scat(b):
      pltpu.sync_copy(rows[b], z_sh.at[didx_v.at[b]], add=True)

    def run():
      def rows_fire(b):
        pltpu.async_copy(y_hbm.at[sidx_v.at[b]], rows[b], sem_r[b])

      def rows_wait(b):
        pltpu.make_async_copy(y_hbm.at[pl.ds(0, CHUNK)], rows[b],
                              sem_r[b]).wait()

      idx_fire(0, 0)
      idx_wait(0)
      rows_fire(0)
      idx_fire(1, 1)

      def body(t, carry):
        g = 2 * t
        idx_wait(1)
        rows_wait(0)
        rows_fire(1)
        scat(0)
        idx_fire(g + 2, 0)
        idx_wait(0)
        rows_wait(1)
        rows_fire(0)
        scat(1)
        idx_fire(g + 3, 1)
        return carry

      lax.fori_loop(0, G // 2, body, 0)
      rows_wait(0)
      idx_wait(1)

    run()
    plsc.subcore_barrier()
    pltpu.sync_copy(z_sh.at[pl.ds(s * RPT, RPT)],
                    out_hbm.at[pl.ds(c * N_PAD + s * RPT, RPT)])

  return k(y, srcp, dstp, zeros_d)


def _tc_scale(degp, x):

  def body(deg_ref, x_ref, y_ref, dinv_ref):
    dsum = deg_ref[0] + deg_ref[1]
    dinv = lax.rsqrt(dsum[:, 0:1] + 1.0)
    dinv_ref[...] = dinv
    y_ref[...] = x_ref[...] * dinv[:N]

  return pl.pallas_call(
      body,
      out_shape=(
          jax.ShapeDtypeStruct((N, D), jnp.float32),
          jax.ShapeDtypeStruct((N_PAD, 1), jnp.float32),
      ),
  )(degp.reshape(NC, N_PAD, D), x)


def _tc_mlp(z, y, dinv, W1, b1, W2, b2, W3, b3):
  R = 1000
  zr = z.reshape(NC, N_PAD, D)

  def body(z0_ref, z1_ref, y_ref, dinv_ref, w1_ref, b1_ref, w2_ref, b2_ref,
           w3_ref, b3_ref, o_ref):
    u = (z0_ref[0] + z1_ref[0] + y_ref[...]) * dinv_ref[...]
    h = jnp.dot(u, w1_ref[...], preferred_element_type=jnp.float32)
    h = jnp.maximum(h + b1_ref[...], 0.0)
    h = jnp.dot(h, w2_ref[...], preferred_element_type=jnp.float32)
    h = jnp.maximum(h + b2_ref[...], 0.0)
    o = jnp.dot(h, w3_ref[...], preferred_element_type=jnp.float32)
    o_ref[...] = o + b3_ref[...]

  return pl.pallas_call(
      body,
      grid=(N // R,),
      in_specs=[
          pl.BlockSpec((1, R, D), lambda i: (0, i, 0)),
          pl.BlockSpec((1, R, D), lambda i: (1, i, 0)),
          pl.BlockSpec((R, D), lambda i: (i, 0)),
          pl.BlockSpec((R, 1), lambda i: (i, 0)),
          pl.BlockSpec((D, H1), lambda i: (0, 0)),
          pl.BlockSpec((1, H1), lambda i: (0, 0)),
          pl.BlockSpec((H1, H2), lambda i: (0, 0)),
          pl.BlockSpec((1, H2), lambda i: (0, 0)),
          pl.BlockSpec((H2, 1), lambda i: (0, 0)),
          pl.BlockSpec((1, 1), lambda i: (0, 0)),
      ],
      out_specs=pl.BlockSpec((R, 1), lambda i: (i, 0)),
      out_shape=jax.ShapeDtypeStruct((N, 1), jnp.float32),
  )(zr, zr, y, dinv, W1, b1.reshape(1, H1), W2, b2.reshape(1, H2),
    W3, b3.reshape(1, 1))


def kernel(x, edge_index, W1, b1, W2, b2, W3, b3):
  E = edge_index.shape[1]
  G = 2 * (-(-E // (NW * CHUNK * 2)))
  pad = NW * G * CHUNK + 2 * CHUNK - E
  src = edge_index[0]
  dst = edge_index[1]
  srcp = jnp.concatenate([src, jnp.zeros((pad,), jnp.int32)])
  dstp = jnp.concatenate([dst, jnp.full((pad,), N, jnp.int32)])
  ones_rows = jnp.ones((CHUNK, D), jnp.float32)
  zeros_d = jnp.zeros((N_PAD, D), jnp.float32)

  degp = _sc_degree(dstp, ones_rows, zeros_d, G=G)
  y, dinv = _tc_scale(degp, x)
  z = _sc_aggregate(y, srcp, dstp, zeros_d, G=G)
  return _tc_mlp(z, y, dinv, W1, b1, W2, b2, W3, b3)

# --- scband reference (transcript-rebuilt; emitter-appended) ---
"""Pipeline reference for scband-gcn-regression-model2-46316927320530 (READ-ONLY COPY).

The authoritative reference and input builder live on the scoring server;
editing this copy changes nothing except your own understanding.
"""

import jax, jax.numpy as jnp
import numpy as np

N = 10000
E = 320000
D = 128
H1 = 512
H2 = 64


def setup_inputs(seed: int = 0) -> dict:
    key = jax.random.key(seed)
    ks = jax.random.split(key, 8)
    x = jax.random.normal(ks[0], (N, D), dtype=jnp.float32)
    edge_index = jax.random.randint(ks[1], (2, E), 0, N, dtype=jnp.int32)
    W1 = jax.random.normal(ks[2], (D, H1), dtype=jnp.float32) * (1.0 / np.sqrt(D))
    b1 = jnp.zeros((H1,), dtype=jnp.float32)
    W2 = jax.random.normal(ks[3], (H1, H2), dtype=jnp.float32) * (1.0 / np.sqrt(H1))
    b2 = jnp.zeros((H2,), dtype=jnp.float32)
    W3 = jax.random.normal(ks[4], (H2, 1), dtype=jnp.float32) * (1.0 / np.sqrt(H2))
    b3 = jnp.zeros((1,), dtype=jnp.float32)
    return {"x": x, "edge_index": edge_index, "W1": W1, "b1": b1, "W2": W2, "b2": b2, "W3": W3, "b3": b3}


def gcn_conv(x, edge_index, W, b, num_nodes):
    # PyG GCNConv: add self-loops, symmetric normalization, x @ W, scatter-add aggregate, + bias
    src = edge_index[0]
    dst = edge_index[1]
    loop = jnp.arange(num_nodes, dtype=src.dtype)
    src = jnp.concatenate([src, loop])
    dst = jnp.concatenate([dst, loop])
    ew = jnp.ones(src.shape[0], dtype=x.dtype)
    deg = jnp.zeros((num_nodes,), dtype=x.dtype).at[dst].add(ew)
    dinv = jnp.where(deg > 0, jax.lax.rsqrt(jnp.where(deg > 0, deg, 1.0)), 0.0)
    norm = dinv[src] * dinv[dst] * ew
    xw = x @ W
    msg = xw[src] * norm[:, None]
    out = jnp.zeros((num_nodes, xw.shape[1]), dtype=x.dtype).at[dst].add(msg)
    return out + b


def reference(x, edge_index, W1, b1, W2, b2, W3, b3):
    h = gcn_conv(x, edge_index, W1, b1, N)
    h = jax.nn.relu(h)
    h = h @ W2 + b2
    h = jax.nn.relu(h)
    h = h @ W3 + b3
    return h

if __name__ == "__main__":
    import jax
    _d = setup_inputs()
    print(jax.jit(kernel)(*tuple(_d.values())))

</pallas_src>

<mosaic_0001>
#map = affine_map<(d0, d1) -> (0)>
#map1 = affine_map<(d0, d1) -> (0, 0)>
module attributes {stable_mosaic.version = 14 : i64} {
  func.func @k(%arg0: i32, %arg1: i32, %arg2: memref<327936xi32, #tpu.memory_space<hbm>>, %arg3: memref<128x128xf32, #tpu.memory_space<hbm>>, %arg4: memref<10112x128xf32, #tpu.memory_space<hbm>>, %arg5: memref<20224x128xf32, #tpu.memory_space<hbm>>, %arg6: memref<2x128xi32, #tpu.memory_space<vmem>>, %arg7: memref<128x128xf32, #tpu.memory_space<vmem>>, %arg8: memref<!tpu.dma_semaphore, #tpu.memory_space<semaphore_mem>>, %arg9: memref<!tpu.dma_semaphore, #tpu.memory_space<semaphore_mem>>, %arg10: memref<10112x128xf32, #tpu.memory_space<vmem_shared>>) attributes {dimension_semantics = [#tpu.dimension_semantics<core_parallel>, #tpu.dimension_semantics<subcore_parallel>], iteration_bounds = array<i64: 2, 16>, scalar_prefetch = 0 : i64, scratch_operands = 5 : i64, tpu.core_type = #tpu.core_type<sc_vector_subcore>, window_params = [{transform_indices = #map}, {transform_indices = #map1}, {transform_indices = #map1}, {transform_indices = #map1}]} {
    %mul3A = arith.constant 632 : i32
    %mul3A_0 = arith.muli %arg1, %mul3A : i32
    %mul3A_1 = arith.constant 632 : i32
    %mul3A_2 = arith.muli %arg1, %mul3A_1 : i32
    "tpu.region"() ({
      %run_scoped3A = tpu.sem_alloc : memref<!tpu.dma_semaphore, #tpu.memory_space<semaphore_mem>>
      %dma_start3A_40 = arith.constant 0 : i32
      %dma_start3A_41 = tpu.memref_slice %arg10[%mul3A_2, %dma_start3A_40] : memref<10112x128xf32, #tpu.memory_space<vmem_shared>> -> memref<632x128xf32, #tpu.memory_space<vmem_shared>>
      %dma_start3A_42 = arith.constant 0 : i32
      %dma_start3A_43 = tpu.memref_slice %arg4[%mul3A_0, %dma_start3A_42] : memref<10112x128xf32, #tpu.memory_space<hbm>> -> memref<632x128xf32, #tpu.memory_space<hbm>>
      tpu.enqueue_dma source(%dma_start3A_43 : memref<632x128xf32, #tpu.memory_space<hbm>>) target(%dma_start3A_41 : memref<632x128xf32, #tpu.memory_space<vmem_shared>>) target_semaphore(%run_scoped3A : memref<!tpu.dma_semaphore, #tpu.memory_space<semaphore_mem>>)
      %dma_wait3A_44 = arith.constant 0 : i32
      %dma_wait3A_45 = tpu.memref_slice %arg10[%mul3A_2, %dma_wait3A_44] : memref<10112x128xf32, #tpu.memory_space<vmem_shared>> -> memref<632x128xf32, #tpu.memory_space<vmem_shared>>
      %dma_wait3A_46 = arith.constant 0 : i32
      %dma_wait3A_47 = tpu.memref_slice %arg4[%mul3A_0, %dma_wait3A_46] : memref<10112x128xf32, #tpu.memory_space<hbm>> -> memref<632x128xf32, #tpu.memory_space<hbm>>
      tpu.wait_dma2 semaphore(%run_scoped3A : memref<!tpu.dma_semaphore, #tpu.memory_space<semaphore_mem>>) src(%dma_wait3A_47 : memref<632x128xf32, #tpu.memory_space<hbm>>) dst(%dma_wait3A_45 : memref<632x128xf32, #tpu.memory_space<vmem_shared>>)
      tpu.yield
    }) : () -> ()
    "tpu.region"() ({
      %run_scoped3A = tpu.sem_alloc : memref<!tpu.dma_semaphore, #tpu.memory_space<semaphore_mem>>
      tpu.enqueue_dma source(%arg3 : memref<128x128xf32, #tpu.memory_space<hbm>>) target(%arg7 : memref<128x128xf32, #tpu.memory_space<vmem>>) target_semaphore(%run_scoped3A : memref<!tpu.dma_semaphore, #tpu.memory_space<semaphore_mem>>)
      tpu.wait_dma2 semaphore(%run_scoped3A : memref<!tpu.dma_semaphore, #tpu.memory_space<semaphore_mem>>) src(%arg3 : memref<128x128xf32, #tpu.memory_space<hbm>>) dst(%arg7 : memref<128x128xf32, #tpu.memory_space<vmem>>)
      tpu.yield
    }) : () -> ()
    %barrier3A = arith.constant 0 : index
    tpu.barrier barrier_id(%barrier3A)
    %mul3A_3 = arith.constant 2 : i32
    %mul3A_4 = arith.muli %arg1, %mul3A_3 : i32
    %add3A = arith.addi %mul3A_4, %arg0 : i32
    %mul3A_5 = arith.constant 10240 : i32
    %mul3A_6 = arith.muli %add3A, %mul3A_5 : i32
    %add3A_7 = arith.constant 0 : i32
    %add3A_8 = arith.addi %mul3A_6, %add3A_7 : i32
    %dma_start3A = arith.constant 0 : i32
    %dma_start3A_9 = arith.constant 0 : i32
    %dma_start3A_10 = tpu.memref_slice %arg6[%dma_start3A, %dma_start3A_9] : memref<2x128xi32, #tpu.memory_space<vmem>> -> memref<1x128xi32, #tpu.memory_space<vmem>>
    %dma_start3A_11 = tpu.memref_squeeze %dma_start3A_10 : memref<1x128xi32, #tpu.memory_space<vmem>> -> memref<128xi32, #tpu.memory_space<vmem>>
    %dma_start3A_12 = tpu.memref_slice %arg2[%add3A_8] : memref<327936xi32, #tpu.memory_space<hbm>> -> memref<128xi32, #tpu.memory_space<hbm>>
    %dma_start3A_13 = arith.constant 0 : i32
    %dma_start3A_14 = tpu.memref_slice %arg6[%dma_start3A, %dma_start3A_13] : memref<2x128xi32, #tpu.memory_space<vmem>> -> memref<1x128xi32, #tpu.memory_space<vmem>>
    %dma_start3A_15 = tpu.memref_squeeze %dma_start3A_14 : memref<1x128xi32, #tpu.memory_space<vmem>> -> memref<128xi32, #tpu.memory_space<vmem>>
    %dma_start3A_16 = tpu.memref_slice %arg2[%add3A_8] : memref<327936xi32, #tpu.memory_space<hbm>> -> memref<128xi32, #tpu.memory_space<hbm>>
    tpu.enqueue_dma source(%dma_start3A_16 : memref<128xi32, #tpu.memory_space<hbm>>) target(%dma_start3A_15 : memref<128xi32, #tpu.memory_space<vmem>>) target_semaphore(%arg8 : memref<!tpu.dma_semaphore, #tpu.memory_space<semaphore_mem>>)
    %scan3A = arith.constant 0 : i32
    %scan3A_17 = arith.constant 0 : i32
    %scan3A_18 = arith.constant 40 : i32
    %scan3A_19 = arith.addi %scan3A_17, %scan3A_18 : i32
    %scan3A_20 = arith.constant 1 : i32
    scf.for %scan3A_40 = %scan3A_17 to %scan3A_19 step %scan3A_20  : i32 {
      %mul3A_41 = arith.constant 2 : i32
      %mul3A_42 = arith.muli %mul3A_41, %scan3A_40 : i32
      %dma_wait3A_43 = arith.constant 0 : i32
      %dma_wait3A_44 = arith.constant 0 : i32
      %dma_wait3A_45 = tpu.memref_slice %arg6[%dma_wait3A_43, %dma_wait3A_44] : memref<2x128xi32, #tpu.memory_space<vmem>> -> memref<1x128xi32, #tpu.memory_space<vmem>>
      %dma_wait3A_46 = tpu.memref_squeeze %dma_wait3A_45 : memref<1x128xi32, #tpu.memory_space<vmem>> -> memref<128xi32, #tpu.memory_space<vmem>>
      %dma_wait3A_47 = arith.constant 0 : i32
      %dma_wait3A_48 = tpu.memref_slice %arg2[%dma_wait3A_47] : memref<327936xi32, #tpu.memory_space<hbm>> -> memref<128xi32, #tpu.memory_space<hbm>>
      %dma_wait3A_49 = arith.constant 0 : i32
      %dma_wait3A_50 = tpu.memref_slice %arg6[%dma_wait3A_43, %dma_wait3A_49] : memref<2x128xi32, #tpu.memory_space<vmem>> -> memref<1x128xi32, #tpu.memory_space<vmem>>
      %dma_wait3A_51 = tpu.memref_squeeze %dma_wait3A_50 : memref<1x128xi32, #tpu.memory_space<vmem>> -> memref<128xi32, #tpu.memory_space<vmem>>
      %dma_wait3A_52 = arith.constant 0 : i32
      %dma_wait3A_53 = tpu.memref_slice %arg2[%dma_wait3A_52] : memref<327936xi32, #tpu.memory_space<hbm>> -> memref<128xi32, #tpu.memory_space<hbm>>
      tpu.wait_dma2 semaphore(%arg8 : memref<!tpu.dma_semaphore, #tpu.memory_space<semaphore_mem>>) src(%dma_wait3A_53 : memref<128xi32, #tpu.memory_space<hbm>>) dst(%dma_wait3A_51 : memref<128xi32, #tpu.memory_space<vmem>>)
      %add3A_54 = arith.constant 1 : i32
      %add3A_55 = arith.addi %mul3A_42, %add3A_54 : i32
      %mul3A_56 = arith.constant 128 : i32
      %mul3A_57 = arith.muli %add3A_55, %mul3A_56 : i32
      %add3A_58 = arith.addi %mul3A_6, %mul3A_57 : i32
      %dma_start3A_59 = arith.constant 1 : i32
      %dma_start3A_60 = arith.constant 0 : i32
      %dma_start3A_61 = tpu.memref_slice %arg6[%dma_start3A_59, %dma_start3A_60] : memref<2x128xi32, #tpu.memory_space<vmem>> -> memref<1x128xi32, #tpu.memory_space<vmem>>
      %dma_start3A_62 = tpu.memref_squeeze %dma_start3A_61 : memref<1x128xi32, #tpu.memory_space<vmem>> -> memref<128xi32, #tpu.memory_space<vmem>>
      %dma_start3A_63 = tpu.memref_slice %arg2[%add3A_58] : memref<327936xi32, #tpu.memory_space<hbm>> -> memref<128xi32, #tpu.memory_space<hbm>>
      %dma_start3A_64 = arith.constant 0 : i32
      %dma_start3A_65 = tpu.memref_slice %arg6[%dma_start3A_59, %dma_start3A_64] : memref<2x128xi32, #tpu.memory_space<vmem>> -> memref<1x128xi32, #tpu.memory_space<vmem>>
      %dma_start3A_66 = tpu.memref_squeeze %dma_start3A_65 : memref<1x128xi32, #tpu.memory_space<vmem>> -> memref<128xi32, #tpu.memory_space<vmem>>
      %dma_start3A_67 = tpu.memref_slice %arg2[%add3A_58] : memref<327936xi32, #tpu.memory_space<hbm>> -> memref<128xi32, #tpu.memory_space<hbm>>
      tpu.enqueue_dma source(%dma_start3A_67 : memref<128xi32, #tpu.memory_space<hbm>>) target(%dma_start3A_66 : memref<128xi32, #tpu.memory_space<vmem>>) target_semaphore(%arg9 : memref<!tpu.dma_semaphore, #tpu.memory_space<semaphore_mem>>)
      %run_scoped3A = arith.constant 0 : i32
      "tpu.region"() ({
        %run_scoped3A_94 = tpu.sem_alloc : memref<!tpu.dma_semaphore, #tpu.memory_space<semaphore_mem>>
        %dma_start3A_95 = arith.constant 0 : i32
        %dma_start3A_96 = tpu.memref_slice %arg6[%run_scoped3A, %dma_start3A_95] : memref<2x128xi32, #tpu.memory_space<vmem>> -> memref<1x128xi32, #tpu.memory_space<vmem>>
        %dma_start3A_97 = tpu.memref_squeeze %dma_start3A_96 : memref<1x128xi32, #tpu.memory_space<vmem>> -> memref<128xi32, #tpu.memory_space<vmem>>
        %dma_start3A_98 = arith.constant 0 : i32
        %dma_start3A_99 = arith.constant 0 : i32
        %dma_start3A_100 = tpu.memref_slice %arg10[%dma_start3A_98, %dma_start3A_99] : memref<10112x128xf32, #tpu.memory_space<vmem_shared>> -> memref<10112x128xf32, #tpu.memory_space<vmem_shared>>
        tpu.enqueue_indirect_dma source(%arg7 : memref<128x128xf32, #tpu.memory_space<vmem>>) target(%dma_start3A_100 : memref<10112x128xf32, #tpu.memory_space<vmem_shared>>) offsets(%dma_start3A_97 : memref<128xi32, #tpu.memory_space<vmem>>) semaphore(%run_scoped3A_94 : memref<!tpu.dma_semaphore, #tpu.memory_space<semaphore_mem>>) {add = true}
        %dma_wait3A_101 = arith.constant 0 : i32
        %dma_wait3A_102 = tpu.memref_slice %arg6[%run_scoped3A, %dma_wait3A_101] : memref<2x128xi32, #tpu.memory_space<vmem>> -> memref<1x128xi32, #tpu.memory_space<vmem>>
        %dma_wait3A_103 = tpu.memref_squeeze %dma_wait3A_102 : memref<1x128xi32, #tpu.memory_space<vmem>> -> memref<128xi32, #tpu.memory_space<vmem>>
        %dma_wait3A_104 = arith.constant 0 : i32
        %dma_wait3A_105 = arith.constant 0 : i32
        %dma_wait3A_106 = tpu.memref_slice %arg10[%dma_wait3A_104, %dma_wait3A_105] : memref<10112x128xf32, #tpu.memory_space<vmem_shared>> -> memref<10112x128xf32, #tpu.memory_space<vmem_shared>>
        tpu.wait_indirect_dma semaphore(%run_scoped3A_94 : memref<!tpu.dma_semaphore, #tpu.memory_space<semaphore_mem>>) src(%arg7 : memref<128x128xf32, #tpu.memory_space<vmem>>) dst(%dma_wait3A_106 : memref<10112x128xf32, #tpu.memory_space<vmem_shared>>)
        tpu.yield
      }) : () -> ()
      %dma_wait3A_68 = arith.constant 1 : i32
      %dma_wait3A_69 = arith.constant 0 : i32
      %dma_wait3A_70 = tpu.memref_slice %arg6[%dma_wait3A_68, %dma_wait3A_69] : memref<2x128xi32, #tpu.memory_space<vmem>> -> memref<1x128xi32, #tpu.memory_space<vmem>>
      %dma_wait3A_71 = tpu.memref_squeeze %dma_wait3A_70 : memref<1x128xi32, #tpu.memory_space<vmem>> -> memref<128xi32, #tpu.memory_space<vmem>>
      %dma_wait3A_72 = arith.constant 0 : i32
      %dma_wait3A_73 = tpu.memref_slice %arg2[%dma_wait3A_72] : memref<327936xi32, #tpu.memory_space<hbm>> -> memref<128xi32, #tpu.memory_space<hbm>>
      %dma_wait3A_74 = arith.constant 0 : i32
      %dma_wait3A_75 = tpu.memref_slice %arg6[%dma_wait3A_68, %dma_wait3A_74] : memref<2x128xi32, #tpu.memory_space<vmem>> -> memref<1x128xi32, #tpu.memory_space<vmem>>
      %dma_wait3A_76 = tpu.memref_squeeze %dma_wait3A_75 : memref<1x128xi32, #tpu.memory_space<vmem>> -> memref<128xi32, #tpu.memory_space<vmem>>
      %dma_wait3A_77 = arith.constant 0 : i32
      %dma_wait3A_78 = tpu.memref_slice %arg2[%dma_wait3A_77] : memref<327936xi32, #tpu.memory_space<hbm>> -> memref<128xi32, #tpu.memory_space<hbm>>
      tpu.wait_dma2 semaphore(%arg9 : memref<!tpu.dma_semaphore, #tpu.memory_space<semaphore_mem>>) src(%dma_wait3A_78 : memref<128xi32, #tpu.memory_space<hbm>>) dst(%dma_wait3A_76 : memref<128xi32, #tpu.memory_space<vmem>>)
      %add3A_79 = arith.constant 2 : i32
      %add3A_80 = arith.addi %mul3A_42, %add3A_79 : i32
      %mul3A_81 = arith.constant 128 : i32
      %mul3A_82 = arith.muli %add3A_80, %mul3A_81 : i32
      %add3A_83 = arith.addi %mul3A_6, %mul3A_82 : i32
      %dma_start3A_84 = arith.constant 0 : i32
      %dma_start3A_85 = arith.constant 0 : i32
      %dma_start3A_86 = tpu.memref_slice %arg6[%dma_start3A_84, %dma_start3A_85] : memref<2x128xi32, #tpu.memory_space<vmem>> -> memref<1x128xi32, #tpu.memory_space<vmem>>
      %dma_start3A_87 = tpu.memref_squeeze %dma_start3A_86 : memref<1x128xi32, #tpu.memory_space<vmem>> -> memref<128xi32, #tpu.memory_space<vmem>>
      %dma_start3A_88 = tpu.memref_slice %arg2[%add3A_83] : memref<327936xi32, #tpu.memory_space<hbm>> -> memref<128xi32, #tpu.memory_space<hbm>>
      %dma_start3A_89 = arith.constant 0 : i32
      %dma_start3A_90 = tpu.memref_slice %arg6[%dma_start3A_84, %dma_start3A_89] : memref<2x128xi32, #tpu.memory_space<vmem>> -> memref<1x128xi32, #tpu.memory_space<vmem>>
      %dma_start3A_91 = tpu.memref_squeeze %dma_start3A_90 : memref<1x128xi32, #tpu.memory_space<vmem>> -> memref<128xi32, #tpu.memory_space<vmem>>
      %dma_start3A_92 = tpu.memref_slice %arg2[%add3A_83] : memref<327936xi32, #tpu.memory_space<hbm>> -> memref<128xi32, #tpu.memory_space<hbm>>
      tpu.enqueue_dma source(%dma_start3A_92 : memref<128xi32, #tpu.memory_space<hbm>>) target(%dma_start3A_91 : memref<128xi32, #tpu.memory_space<vmem>>) target_semaphore(%arg8 : memref<!tpu.dma_semaphore, #tpu.memory_space<semaphore_mem>>)
      %run_scoped3A_93 = arith.constant 1 : i32
      "tpu.region"() ({
        %run_scoped3A_94 = tpu.sem_alloc : memref<!tpu.dma_semaphore, #tpu.memory_space<semaphore_mem>>
        %dma_start3A_95 = arith.constant 0 : i32
        %dma_start3A_96 = tpu.memref_slice %arg6[%run_scoped3A_93, %dma_start3A_95] : memref<2x128xi32, #tpu.memory_space<vmem>> -> memref<1x128xi32, #tpu.memory_space<vmem>>
        %dma_start3A_97 = tpu.memref_squeeze %dma_start3A_96 : memref<1x128xi32, #tpu.memory_space<vmem>> -> memref<128xi32, #tpu.memory_space<vmem>>
        %dma_start3A_98 = arith.constant 0 : i32
        %dma_start3A_99 = arith.constant 0 : i32
        %dma_start3A_100 = tpu.memref_slice %arg10[%dma_start3A_98, %dma_start3A_99] : memref<10112x128xf32, #tpu.memory_space<vmem_shared>> -> memref<10112x128xf32, #tpu.memory_space<vmem_shared>>
        tpu.enqueue_indirect_dma source(%arg7 : memref<128x128xf32, #tpu.memory_space<vmem>>) target(%dma_start3A_100 : memref<10112x128xf32, #tpu.memory_space<vmem_shared>>) offsets(%dma_start3A_97 : memref<128xi32, #tpu.memory_space<vmem>>) semaphore(%run_scoped3A_94 : memref<!tpu.dma_semaphore, #tpu.memory_space<semaphore_mem>>) {add = true}
        %dma_wait3A_101 = arith.constant 0 : i32
        %dma_wait3A_102 = tpu.memref_slice %arg6[%run_scoped3A_93, %dma_wait3A_101] : memref<2x128xi32, #tpu.memory_space<vmem>> -> memref<1x128xi32, #tpu.memory_space<vmem>>
        %dma_wait3A_103 = tpu.memref_squeeze %dma_wait3A_102 : memref<1x128xi32, #tpu.memory_space<vmem>> -> memref<128xi32, #tpu.memory_space<vmem>>
        %dma_wait3A_104 = arith.constant 0 : i32
        %dma_wait3A_105 = arith.constant 0 : i32
        %dma_wait3A_106 = tpu.memref_slice %arg10[%dma_wait3A_104, %dma_wait3A_105] : memref<10112x128xf32, #tpu.memory_space<vmem_shared>> -> memref<10112x128xf32, #tpu.memory_space<vmem_shared>>
        tpu.wait_indirect_dma semaphore(%run_scoped3A_94 : memref<!tpu.dma_semaphore, #tpu.memory_space<semaphore_mem>>) src(%arg7 : memref<128x128xf32, #tpu.memory_space<vmem>>) dst(%dma_wait3A_106 : memref<10112x128xf32, #tpu.memory_space<vmem_shared>>)
        tpu.yield
      }) : () -> ()
    }
    %scan3A_21 = arith.constant 40 : i32
    %dma_wait3A = arith.constant 0 : i32
    %dma_wait3A_22 = arith.constant 0 : i32
    %dma_wait3A_23 = tpu.memref_slice %arg6[%dma_wait3A, %dma_wait3A_22] : memref<2x128xi32, #tpu.memory_space<vmem>> -> memref<1x128xi32, #tpu.memory_space<vmem>>
    %dma_wait3A_24 = tpu.memref_squeeze %dma_wait3A_23 : memref<1x128xi32, #tpu.memory_space<vmem>> -> memref<128xi32, #tpu.memory_space<vmem>>
    %dma_wait3A_25 = arith.constant 0 : i32
    %dma_wait3A_26 = tpu.memref_slice %arg2[%dma_wait3A_25] : memref<327936xi32, #tpu.memory_space<hbm>> -> memref<128xi32, #tpu.memory_space<hbm>>
    %dma_wait3A_27 = arith.constant 0 : i32
    %dma_wait3A_28 = tpu.memref_slice %arg6[%dma_wait3A, %dma_wait3A_27] : memref<2x128xi32, #tpu.memory_space<vmem>> -> memref<1x128xi32, #tpu.memory_space<vmem>>
    %dma_wait3A_29 = tpu.memref_squeeze %dma_wait3A_28 : memref<1x128xi32, #tpu.memory_space<vmem>> -> memref<128xi32, #tpu.memory_space<vmem>>
    %dma_wait3A_30 = arith.constant 0 : i32
    %dma_wait3A_31 = tpu.memref_slice %arg2[%dma_wait3A_30] : memref<327936xi32, #tpu.memory_space<hbm>> -> memref<128xi32, #tpu.memory_space<hbm>>
    tpu.wait_dma2 semaphore(%arg8 : memref<!tpu.dma_semaphore, #tpu.memory_space<semaphore_mem>>) src(%dma_wait3A_31 : memref<128xi32, #tpu.memory_space<hbm>>) dst(%dma_wait3A_29 : memref<128xi32, #tpu.memory_space<vmem>>)
    %barrier3A_32 = arith.constant 0 : index
    tpu.barrier barrier_id(%barrier3A_32)
    %mul3A_33 = arith.constant 632 : i32
    %mul3A_34 = arith.muli %arg1, %mul3A_33 : i32
    %mul3A_35 = arith.constant 10112 : i32
    %mul3A_36 = arith.muli %arg0, %mul3A_35 : i32
    %mul3A_37 = arith.constant 632 : i32
    %mul3A_38 = arith.muli %arg1, %mul3A_37 : i32
    %add3A_39 = arith.addi %mul3A_36, %mul3A_38 : i32
    "tpu.region"() ({
      %run_scoped3A = tpu.sem_alloc : memref<!tpu.dma_semaphore, #tpu.memory_space<semaphore_mem>>
      %dma_start3A_40 = arith.constant 0 : i32
      %dma_start3A_41 = tpu.memref_slice %arg5[%add3A_39, %dma_start3A_40] : memref<20224x128xf32, #tpu.memory_space<hbm>> -> memref<632x128xf32, #tpu.memory_space<hbm>>
      %dma_start3A_42 = arith.constant 0 : i32
      %dma_start3A_43 = tpu.memref_slice %arg10[%mul3A_34, %dma_start3A_42] : memref<10112x128xf32, #tpu.memory_space<vmem_shared>> -> memref<632x128xf32, #tpu.memory_space<vmem_shared>>
      tpu.enqueue_dma source(%dma_start3A_43 : memref<632x128xf32, #tpu.memory_space<vmem_shared>>) target(%dma_start3A_41 : memref<632x128xf32, #tpu.memory_space<hbm>>) target_semaphore(%run_scoped3A : memref<!tpu.dma_semaphore, #tpu.memory_space<semaphore_mem>>)
      %dma_wait3A_44 = arith.constant 0 : i32
      %dma_wait3A_45 = tpu.memref_slice %arg5[%add3A_39, %dma_wait3A_44] : memref<20224x128xf32, #tpu.memory_space<hbm>> -> memref<632x128xf32, #tpu.memory_space<hbm>>
      %dma_wait3A_46 = arith.constant 0 : i32
      %dma_wait3A_47 = tpu.memref_slice %arg10[%mul3A_34, %dma_wait3A_46] : memref<10112x128xf32, #tpu.memory_space<vmem_shared>> -> memref<632x128xf32, #tpu.memory_space<vmem_shared>>
      tpu.wait_dma2 semaphore(%run_scoped3A : memref<!tpu.dma_semaphore, #tpu.memory_space<semaphore_mem>>) src(%dma_wait3A_47 : memref<632x128xf32, #tpu.memory_space<vmem_shared>>) dst(%dma_wait3A_45 : memref<632x128xf32, #tpu.memory_space<hbm>>)
      tpu.yield
    }) : () -> ()
    return
  }
}

#map = affine_map<(d0, d1) -> (0, 0)>
#map1 = affine_map<(d0, d1) -> (0)>
module attributes {stable_mosaic.version = 14 : i64} {
  func.func @k(%arg0: i32, %arg1: i32, %arg2: memref<10000x128xf32, #tpu.memory_space<hbm>>, %arg3: memref<327936xi32, #tpu.memory_space<hbm>>, %arg4: memref<327936xi32, #tpu.memory_space<hbm>>, %arg5: memref<10112x128xf32, #tpu.memory_space<hbm>>, %arg6: memref<20224x128xf32, #tpu.memory_space<hbm>>, %arg7: memref<2x128xi32, #tpu.memory_space<vmem>>, %arg8: memref<2x128xi32, #tpu.memory_space<vmem>>, %arg9: memref<128x128xf32, #tpu.memory_space<vmem>>, %arg10: memref<128x128xf32, #tpu.memory_space<vmem>>, %arg11: memref<!tpu.dma_semaphore, #tpu.memory_space<semaphore_mem>>, %arg12: memref<!tpu.dma_semaphore, #tpu.memory_space<semaphore_mem>>, %arg13: memref<!tpu.dma_semaphore, #tpu.memory_space<semaphore_mem>>, %arg14: memref<!tpu.dma_semaphore, #tpu.memory_space<semaphore_mem>>, %arg15: memref<10112x128xf32, #tpu.memory_space<vmem_shared>>) attributes {dimension_semantics = [#tpu.dimension_semantics<core_parallel>, #tpu.dimension_semantics<subcore_parallel>], iteration_bounds = array<i64: 2, 16>, scalar_prefetch = 0 : i64, scratch_operands = 9 : i64, tpu.core_type = #tpu.core_type<sc_vector_subcore>, window_params = [{transform_indices = #map}, {transform_indices = #map1}, {transform_indices = #map1}, {transform_indices = #map}, {transform_indices = #map}]} {
    %mul3A = arith.constant 632 : i32
    %mul3A_0 = arith.muli %arg1, %mul3A : i32
    %mul3A_1 = arith.constant 632 : i32
    %mul3A_2 = arith.muli %arg1, %mul3A_1 : i32
    "tpu.region"() ({
      %run_scoped3A = tpu.sem_alloc : memref<!tpu.dma_semaphore, #tpu.memory_space<semaphore_mem>>
      %dma_start3A_115 = arith.constant 0 : i32
      %dma_start3A_116 = tpu.memref_slice %arg15[%mul3A_2, %dma_start3A_115] : memref<10112x128xf32, #tpu.memory_space<vmem_shared>> -> memref<632x128xf32, #tpu.memory_space<vmem_shared>>
      %dma_start3A_117 = arith.constant 0 : i32
      %dma_start3A_118 = tpu.memref_slice %arg5[%mul3A_0, %dma_start3A_117] : memref<10112x128xf32, #tpu.memory_space<hbm>> -> memref<632x128xf32, #tpu.memory_space<hbm>>
      tpu.enqueue_dma source(%dma_start3A_118 : memref<632x128xf32, #tpu.memory_space<hbm>>) target(%dma_start3A_116 : memref<632x128xf32, #tpu.memory_space<vmem_shared>>) target_semaphore(%run_scoped3A : memref<!tpu.dma_semaphore, #tpu.memory_space<semaphore_mem>>)
      %dma_wait3A_119 = arith.constant 0 : i32
      %dma_wait3A_120 = tpu.memref_slice %arg15[%mul3A_2, %dma_wait3A_119] : memref<10112x128xf32, #tpu.memory_space<vmem_shared>> -> memref<632x128xf32, #tpu.memory_space<vmem_shared>>
      %dma_wait3A_121 = arith.constant 0 : i32
      %dma_wait3A_122 = tpu.memref_slice %arg5[%mul3A_0, %dma_wait3A_121] : memref<10112x128xf32, #tpu.memory_space<hbm>> -> memref<632x128xf32, #tpu.memory_space<hbm>>
      tpu.wait_dma2 semaphore(%run_scoped3A : memref<!tpu.dma_semaphore, #tpu.memory_space<semaphore_mem>>) src(%dma_wait3A_122 : memref<632x128xf32, #tpu.memory_space<hbm>>) dst(%dma_wait3A_120 : memref<632x128xf32, #tpu.memory_space<vmem_shared>>)
      tpu.yield
    }) : () -> ()
    %barrier3A = arith.constant 0 : index
    tpu.barrier barrier_id(%barrier3A)
    %mul3A_3 = arith.constant 2 : i32
    %mul3A_4 = arith.muli %arg1, %mul3A_3 : i32
    %add3A = arith.addi %mul3A_4, %arg0 : i32
    %mul3A_5 = arith.constant 10240 : i32
    %mul3A_6 = arith.muli %add3A, %mul3A_5 : i32
    %add3A_7 = arith.constant 0 : i32
    %add3A_8 = arith.addi %mul3A_6, %add3A_7 : i32
    %dma_start3A = arith.constant 0 : i32
    %dma_start3A_9 = arith.constant 0 : i32
    %dma_start3A_10 = tpu.memref_slice %arg7[%dma_start3A, %dma_start3A_9] : memref<2x128xi32, #tpu.memory_space<vmem>> -> memref<1x128xi32, #tpu.memory_space<vmem>>
    %dma_start3A_11 = tpu.memref_squeeze %dma_start3A_10 : memref<1x128xi32, #tpu.memory_space<vmem>> -> memref<128xi32, #tpu.memory_space<vmem>>
    %dma_start3A_12 = tpu.memref_slice %arg3[%add3A_8] : memref<327936xi32, #tpu.memory_space<hbm>> -> memref<128xi32, #tpu.memory_space<hbm>>
    %dma_start3A_13 = arith.constant 0 : i32
    %dma_start3A_14 = tpu.memref_slice %arg7[%dma_start3A, %dma_start3A_13] : memref<2x128xi32, #tpu.memory_space<vmem>> -> memref<1x128xi32, #tpu.memory_space<vmem>>
    %dma_start3A_15 = tpu.memref_squeeze %dma_start3A_14 : memref<1x128xi32, #tpu.memory_space<vmem>> -> memref<128xi32, #tpu.memory_space<vmem>>
    %dma_start3A_16 = tpu.memref_slice %arg3[%add3A_8] : memref<327936xi32, #tpu.memory_space<hbm>> -> memref<128xi32, #tpu.memory_space<hbm>>
    tpu.enqueue_dma source(%dma_start3A_16 : memref<128xi32, #tpu.memory_space<hbm>>) target(%dma_start3A_15 : memref<128xi32, #tpu.memory_space<vmem>>) target_semaphore(%arg11 : memref<!tpu.dma_semaphore, #tpu.memory_space<semaphore_mem>>)
    %dma_start3A_17 = arith.constant 0 : i32
    %dma_start3A_18 = arith.constant 0 : i32
    %dma_start3A_19 = tpu.memref_slice %arg8[%dma_start3A_17, %dma_start3A_18] : memref<2x128xi32, #tpu.memory_space<vmem>> -> memref<1x128xi32, #tpu.memory_space<vmem>>
    %dma_start3A_20 = tpu.memref_squeeze %dma_start3A_19 : memref<1x128xi32, #tpu.memory_space<vmem>> -> memref<128xi32, #tpu.memory_space<vmem>>
    %dma_start3A_21 = tpu.memref_slice %arg4[%add3A_8] : memref<327936xi32, #tpu.memory_space<hbm>> -> memref<128xi32, #tpu.memory_space<hbm>>
    %dma_start3A_22 = arith.constant 0 : i32
    %dma_start3A_23 = tpu.memref_slice %arg8[%dma_start3A_17, %dma_start3A_22] : memref<2x128xi32, #tpu.memory_space<vmem>> -> memref<1x128xi32, #tpu.memory_space<vmem>>
    %dma_start3A_24 = tpu.memref_squeeze %dma_start3A_23 : memref<1x128xi32, #tpu.memory_space<vmem>> -> memref<128xi32, #tpu.memory_space<vmem>>
    %dma_start3A_25 = tpu.memref_slice %arg4[%add3A_8] : memref<327936xi32, #tpu.memory_space<hbm>> -> memref<128xi32, #tpu.memory_space<hbm>>
    tpu.enqueue_dma source(%dma_start3A_25 : memref<128xi32, #tpu.memory_space<hbm>>) target(%dma_start3A_24 : memref<128xi32, #tpu.memory_space<vmem>>) target_semaphore(%arg11 : memref<!tpu.dma_semaphore, #tpu.memory_space<semaphore_mem>>)
    %dma_wait3A = arith.constant 0 : i32
    %dma_wait3A_26 = arith.constant 0 : i32
    %dma_wait3A_27 = tpu.memref_slice %arg7[%dma_wait3A, %dma_wait3A_26] : memref<2x128xi32, #tpu.memory_space<vmem>> -> memref<1x128xi32, #tpu.memory_space<vmem>>
    %dma_wait3A_28 = tpu.memref_squeeze %dma_wait3A_27 : memref<1x128xi32, #tpu.memory_space<vmem>> -> memref<128xi32, #tpu.memory_space<vmem>>
    %dma_wait3A_29 = arith.constant 0 : i32
    %dma_wait3A_30 = tpu.memref_slice %arg3[%dma_wait3A_29] : memref<327936xi32, #tpu.memory_space<hbm>> -> memref<128xi32, #tpu.memory_space<hbm>>
    %dma_wait3A_31 = arith.constant 0 : i32
    %dma_wait3A_32 = tpu.memref_slice %arg7[%dma_wait3A, %dma_wait3A_31] : memref<2x128xi32, #tpu.memory_space<vmem>> -> memref<1x128xi32, #tpu.memory_space<vmem>>
    %dma_wait3A_33 = tpu.memref_squeeze %dma_wait3A_32 : memref<1x128xi32, #tpu.memory_space<vmem>> -> memref<128xi32, #tpu.memory_space<vmem>>
    %dma_wait3A_34 = arith.constant 0 : i32
    %dma_wait3A_35 = tpu.memref_slice %arg3[%dma_wait3A_34] : memref<327936xi32, #tpu.memory_space<hbm>> -> memref<128xi32, #tpu.memory_space<hbm>>
    tpu.wait_dma2 semaphore(%arg11 : memref<!tpu.dma_semaphore, #tpu.memory_space<semaphore_mem>>) src(%dma_wait3A_35 : memref<128xi32, #tpu.memory_space<hbm>>) dst(%dma_wait3A_33 : memref<128xi32, #tpu.memory_space<vmem>>)
    %dma_wait3A_36 = arith.constant 0 : i32
    %dma_wait3A_37 = arith.constant 0 : i32
    %dma_wait3A_38 = tpu.memref_slice %arg8[%dma_wait3A_36, %dma_wait3A_37] : memref<2x128xi32, #tpu.memory_space<vmem>> -> memref<1x128xi32, #tpu.memory_space<vmem>>
    %dma_wait3A_39 = tpu.memref_squeeze %dma_wait3A_38 : memref<1x128xi32, #tpu.memory_space<vmem>> -> memref<128xi32, #tpu.memory_space<vmem>>
    %dma_wait3A_40 = arith.constant 0 : i32
    %dma_wait3A_41 = tpu.memref_slice %arg3[%dma_wait3A_40] : memref<327936xi32, #tpu.memory_space<hbm>> -> memref<128xi32, #tpu.memory_space<hbm>>
    %dma_wait3A_42 = arith.constant 0 : i32
    %dma_wait3A_43 = tpu.memref_slice %arg8[%dma_wait3A_36, %dma_wait3A_42] : memref<2x128xi32, #tpu.memory_space<vmem>> -> memref<1x128xi32, #tpu.memory_space<vmem>>
    %dma_wait3A_44 = tpu.memref_squeeze %dma_wait3A_43 : memref<1x128xi32, #tpu.memory_space<vmem>> -> memref<128xi32, #tpu.memory_space<vmem>>
    %dma_wait3A_45 = arith.constant 0 : i32
    %dma_wait3A_46 = tpu.memref_slice %arg3[%dma_wait3A_45] : memref<327936xi32, #tpu.memory_space<hbm>> -> memref<128xi32, #tpu.memory_space<hbm>>
    tpu.wait_dma2 semaphore(%arg11 : memref<!tpu.dma_semaphore, #tpu.memory_space<semaphore_mem>>) src(%dma_wait3A_46 : memref<128xi32, #tpu.memory_space<hbm>>) dst(%dma_wait3A_44 : memref<128xi32, #tpu.memory_space<vmem>>)
    %dma_start3A_47 = arith.constant 0 : i32
    %dma_start3A_48 = arith.constant 0 : i32
    %dma_start3A_49 = tpu.memref_slice %arg7[%dma_start3A_47, %dma_start3A_48] : memref<2x128xi32, #tpu.memory_space<vmem>> -> memref<1x128xi32, #tpu.memory_space<vmem>>
    %dma_start3A_50 = tpu.memref_squeeze %dma_start3A_49 : memref<1x128xi32, #tpu.memory_space<vmem>> -> memref<128xi32, #tpu.memory_space<vmem>>
    %dma_start3A_51 = arith.constant 0 : i32
    %dma_start3A_52 = arith.constant 0 : i32
    %dma_start3A_53 = tpu.memref_slice %arg2[%dma_start3A_51, %dma_start3A_52] : memref<10000x128xf32, #tpu.memory_space<hbm>> -> memref<10000x128xf32, #tpu.memory_space<hbm>>
    tpu.enqueue_indirect_dma source(%dma_start3A_53 : memref<10000x128xf32, #tpu.memory_space<hbm>>) target(%arg9 : memref<128x128xf32, #tpu.memory_space<vmem>>) offsets(%dma_start3A_50 : memref<128xi32, #tpu.memory_space<vmem>>) semaphore(%arg13 : memref<!tpu.dma_semaphore, #tpu.memory_space<semaphore_mem>>)
    %add3A_54 = arith.constant 128 : i32
    %add3A_55 = arith.addi %mul3A_6, %add3A_54 : i32
    %dma_start3A_56 = arith.constant 1 : i32
    %dma_start3A_57 = arith.constant 0 : i32
    %dma_start3A_58 = tpu.memref_slice %arg7[%dma_start3A_56, %dma_start3A_57] : memref<2x128xi32, #tpu.memory_space<vmem>> -> memref<1x128xi32, #tpu.memory_space<vmem>>
    %dma_start3A_59 = tpu.memref_squeeze %dma_start3A_58 : memref<1x128xi32, #tpu.memory_space<vmem>> -> memref<128xi32, #tpu.memory_space<vmem>>
    %dma_start3A_60 = tpu.memref_slice %arg3[%add3A_55] : memref<327936xi32, #tpu.memory_space<hbm>> -> memref<128xi32, #tpu.memory_space<hbm>>
    %dma_start3A_61 = arith.constant 0 : i32
    %dma_start3A_62 = tpu.memref_slice %arg7[%dma_start3A_56, %dma_start3A_61] : memref<2x128xi32, #tpu.memory_space<vmem>> -> memref<1x128xi32, #tpu.memory_space<vmem>>
    %dma_start3A_63 = tpu.memref_squeeze %dma_start3A_62 : memref<1x128xi32, #tpu.memory_space<vmem>> -> memref<128xi32, #tpu.memory_space<vmem>>
    %dma_start3A_64 = tpu.memref_slice %arg3[%add3A_55] : memref<327936xi32, #tpu.memory_space<hbm>> -> memref<128xi32, #tpu.memory_space<hbm>>
    tpu.enqueue_dma source(%dma_start3A_64 : memref<128xi32, #tpu.memory_space<hbm>>) target(%dma_start3A_63 : memref<128xi32, #tpu.memory_space<vmem>>) target_semaphore(%arg12 : memref<!tpu.dma_semaphore, #tpu.memory_space<semaphore_mem>>)
    %dma_start3A_65 = arith.constant 1 : i32
    %dma_start3A_66 = arith.constant 0 : i32
    %dma_start3A_67 = tpu.memref_slice %arg8[%dma_start3A_65, %dma_start3A_66] : memref<2x128xi32, #tpu.memory_space<vmem>> -> memref<1x128xi32, #tpu.memory_space<vmem>>
    %dma_start3A_68 = tpu.memref_squeeze %dma_start3A_67 : memref<1x128xi32, #tpu.memory_space<vmem>> -> memref<128xi32, #tpu.memory_space<vmem>>
    %dma_start3A_69 = tpu.memref_slice %arg4[%add3A_55] : memref<327936xi32, #tpu.memory_space<hbm>> -> memref<128xi32, #tpu.memory_space<hbm>>
    %dma_start3A_70 = arith.constant 0 : i32
    %dma_start3A_71 = tpu.memref_slice %arg8[%dma_start3A_65, %dma_start3A_70] : memref<2x128xi32, #tpu.memory_space<vmem>> -> memref<1x128xi32, #tpu.memory_space<vmem>>
    %dma_start3A_72 = tpu.memref_squeeze %dma_start3A_71 : memref<1x128xi32, #tpu.memory_space<vmem>> -> memref<128xi32, #tpu.memory_space<vmem>>
    %dma_start3A_73 = tpu.memref_slice %arg4[%add3A_55] : memref<327936xi32, #tpu.memory_space<hbm>> -> memref<128xi32, #tpu.memory_space<hbm>>
    tpu.enqueue_dma source(%dma_start3A_73 : memref<128xi32, #tpu.memory_space<hbm>>) target(%dma_start3A_72 : memref<128xi32, #tpu.memory_space<vmem>>) target_semaphore(%arg12 : memref<!tpu.dma_semaphore, #tpu.memory_space<semaphore_mem>>)
    %scan3A = arith.constant 0 : i32
    %scan3A_74 = arith.constant 0 : i32
    %scan3A_75 = arith.constant 40 : i32
    %scan3A_76 = arith.addi %scan3A_74, %scan3A_75 : i32
    %scan3A_77 = arith.constant 1 : i32
    scf.for %scan3A_115 = %scan3A_74 to %scan3A_76 step %scan3A_77  : i32 {
      %mul3A_116 = arith.constant 2 : i32
      %mul3A_117 = arith.muli %mul3A_116, %scan3A_115 : i32
      %dma_wait3A_118 = arith.constant 1 : i32
      %dma_wait3A_119 = arith.constant 0 : i32
      %dma_wait3A_120 = tpu.memref_slice %arg7[%dma_wait3A_118, %dma_wait3A_119] : memref<2x128xi32, #tpu.memory_space<vmem>> -> memref<1x128xi32, #tpu.memory_space<vmem>>
      %dma_wait3A_121 = tpu.memref_squeeze %dma_wait3A_120 : memref<1x128xi32, #tpu.memory_space<vmem>> -> memref<128xi32, #tpu.memory_space<vmem>>
      %dma_wait3A_122 = arith.constant 0 : i32
      %dma_wait3A_123 = tpu.memref_slice %arg3[%dma_wait3A_122] : memref<327936xi32, #tpu.memory_space<hbm>> -> memref<128xi32, #tpu.memory_space<hbm>>
      %dma_wait3A_124 = arith.constant 0 : i32
      %dma_wait3A_125 = tpu.memref_slice %arg7[%dma_wait3A_118, %dma_wait3A_124] : memref<2x128xi32, #tpu.memory_space<vmem>> -> memref<1x128xi32, #tpu.memory_space<vmem>>
      %dma_wait3A_126 = tpu.memref_squeeze %dma_wait3A_125 : memref<1x128xi32, #tpu.memory_space<vmem>> -> memref<128xi32, #tpu.memory_space<vmem>>
      %dma_wait3A_127 = arith.constant 0 : i32
      %dma_wait3A_128 = tpu.memref_slice %arg3[%dma_wait3A_127] : memref<327936xi32, #tpu.memory_space<hbm>> -> memref<128xi32, #tpu.memory_space<hbm>>
      tpu.wait_dma2 semaphore(%arg12 : memref<!tpu.dma_semaphore, #tpu.memory_space<semaphore_mem>>) src(%dma_wait3A_128 : memref<128xi32, #tpu.memory_space<hbm>>) dst(%dma_wait3A_126 : memref<128xi32, #tpu.memory_space<vmem>>)
      %dma_wait3A_129 = arith.constant 1 : i32
      %dma_wait3A_130 = arith.constant 0 : i32
      %dma_wait3A_131 = tpu.memref_slice %arg8[%dma_wait3A_129, %dma_wait3A_130] : memref<2x128xi32, #tpu.memory_space<vmem>> -> memref<1x128xi32, #tpu.memory_space<vmem>>
      %dma_wait3A_132 = tpu.memref_squeeze %dma_wait3A_131 : memref<1x128xi32, #tpu.memory_space<vmem>> -> memref<128xi32, #tpu.memory_space<vmem>>
      %dma_wait3A_133 = arith.constant 0 : i32
      %dma_wait3A_134 = tpu.memref_slice %arg3[%dma_wait3A_133] : memref<327936xi32, #tpu.memory_space<hbm>> -> memref<128xi32, #tpu.memory_space<hbm>>
      %dma_wait3A_135 = arith.constant 0 : i32
      %dma_wait3A_136 = tpu.memref_slice %arg8[%dma_wait3A_129, %dma_wait3A_135] : memref<2x128xi32, #tpu.memory_space<vmem>> -> memref<1x128xi32, #tpu.memory_space<vmem>>
      %dma_wait3A_137 = tpu.memref_squeeze %dma_wait3A_136 : memref<1x128xi32, #tpu.memory_space<vmem>> -> memref<128xi32, #tpu.memory_space<vmem>>
      %dma_wait3A_138 = arith.constant 0 : i32
      %dma_wait3A_139 = tpu.memref_slice %arg3[%dma_wait3A_138] : memref<327936xi32, #tpu.memory_space<hbm>> -> memref<128xi32, #tpu.memory_space<hbm>>
      tpu.wait_dma2 semaphore(%arg12 : memref<!tpu.dma_semaphore, #tpu.memory_space<semaphore_mem>>) src(%dma_wait3A_139 : memref<128xi32, #tpu.memory_space<hbm>>) dst(%dma_wait3A_137 : memref<128xi32, #tpu.memory_space<vmem>>)
      %dma_wait3A_140 = arith.constant 0 : i32
      %dma_wait3A_141 = arith.constant 0 : i32
      %dma_wait3A_142 = tpu.memref_slice %arg2[%dma_wait3A_140, %dma_wait3A_141] : memref<10000x128xf32, #tpu.memory_space<hbm>> -> memref<128x128xf32, #tpu.memory_space<hbm>>
      %dma_wait3A_143 = arith.constant 0 : i32
      %dma_wait3A_144 = arith.constant 0 : i32
      %dma_wait3A_145 = tpu.memref_slice %arg2[%dma_wait3A_143, %dma_wait3A_144] : memref<10000x128xf32, #tpu.memory_space<hbm>> -> memref<128x128xf32, #tpu.memory_space<hbm>>
      tpu.wait_dma2 semaphore(%arg13 : memref<!tpu.dma_semaphore, #tpu.memory_space<semaphore_mem>>) src(%dma_wait3A_145 : memref<128x128xf32, #tpu.memory_space<hbm>>) dst(%arg9 : memref<128x128xf32, #tpu.memory_space<vmem>>)
      %dma_start3A_146 = arith.constant 1 : i32
      %dma_start3A_147 = arith.constant 0 : i32
      %dma_start3A_148 = tpu.memref_slice %arg7[%dma_start3A_146, %dma_start3A_147] : memref<2x128xi32, #tpu.memory_space<vmem>> -> memref<1x128xi32, #tpu.memory_space<vmem>>
      %dma_start3A_149 = tpu.memref_squeeze %dma_start3A_148 : memref<1x128xi32, #tpu.memory_space<vmem>> -> memref<128xi32, #tpu.memory_space<vmem>>
      %dma_start3A_150 = arith.constant 0 : i32
      %dma_start3A_151 = arith.constant 0 : i32
      %dma_start3A_152 = tpu.memref_slice %arg2[%dma_start3A_150, %dma_start3A_151] : memref<10000x128xf32, #tpu.memory_space<hbm>> -> memref<10000x128xf32, #tpu.memory_space<hbm>>
      tpu.enqueue_indirect_dma source(%dma_start3A_152 : memref<10000x128xf32, #tpu.memory_space<hbm>>) target(%arg10 : memref<128x128xf32, #tpu.memory_space<vmem>>) offsets(%dma_start3A_149 : memref<128xi32, #tpu.memory_space<vmem>>) semaphore(%arg14 : memref<!tpu.dma_semaphore, #tpu.memory_space<semaphore_mem>>)
      %run_scoped3A = arith.constant 0 : i32
      "tpu.region"() ({
        %run_scoped3A_235 = tpu.sem_alloc : memref<!tpu.dma_semaphore, #tpu.memory_space<semaphore_mem>>
        %dma_start3A_236 = arith.constant 0 : i32
        %dma_start3A_237 = tpu.memref_slice %arg8[%run_scoped3A, %dma_start3A_236] : memref<2x128xi32, #tpu.memory_space<vmem>> -> memref<1x128xi32, #tpu.memory_space<vmem>>
        %dma_start3A_238 = tpu.memref_squeeze %dma_start3A_237 : memref<1x128xi32, #tpu.memory_space<vmem>> -> memref<128xi32, #tpu.memory_space<vmem>>
        %dma_start3A_239 = arith.constant 0 : i32
        %dma_start3A_240 = arith.constant 0 : i32
        %dma_start3A_241 = tpu.memref_slice %arg15[%dma_start3A_239, %dma_start3A_240] : memref<10112x128xf32, #tpu.memory_space<vmem_shared>> -> memref<10112x128xf32, #tpu.memory_space<vmem_shared>>
        tpu.enqueue_indirect_dma source(%arg9 : memref<128x128xf32, #tpu.memory_space<vmem>>) target(%dma_start3A_241 : memref<10112x128xf32, #tpu.memory_space<vmem_shared>>) offsets(%dma_start3A_238 : memref<128xi32, #tpu.memory_space<vmem>>) semaphore(%run_scoped3A_235 : memref<!tpu.dma_semaphore, #tpu.memory_space<semaphore_mem>>) {add = true}
        %dma_wait3A_242 = arith.constant 0 : i32
        %dma_wait3A_243 = tpu.memref_slice %arg8[%run_scoped3A, %dma_wait3A_242] : memref<2x128xi32, #tpu.memory_space<vmem>> -> memref<1x128xi32, #tpu.memory_space<vmem>>
        %dma_wait3A_244 = tpu.memref_squeeze %dma_wait3A_243 : memref<1x128xi32, #tpu.memory_space<vmem>> -> memref<128xi32, #tpu.memory_space<vmem>>
        %dma_wait3A_245 = arith.constant 0 : i32
        %dma_wait3A_246 = arith.constant 0 : i32
        %dma_wait3A_247 = tpu.memref_slice %arg15[%dma_wait3A_245, %dma_wait3A_246] : memref<10112x128xf32, #tpu.memory_space<vmem_shared>> -> memref<10112x128xf32, #tpu.memory_space<vmem_shared>>
        tpu.wait_indirect_dma semaphore(%run_scoped3A_235 : memref<!tpu.dma_semaphore, #tpu.memory_space<semaphore_mem>>) src(%arg9 : memref<128x128xf32, #tpu.memory_space<vmem>>) dst(%dma_wait3A_247 : memref<10112x128xf32, #tpu.memory_space<vmem_shared>>)
        tpu.yield
      }) : () -> ()
      %add3A_153 = arith.constant 2 : i32
      %add3A_154 = arith.addi %mul3A_117, %add3A_153 : i32
      %mul3A_155 = arith.constant 128 : i32
      %mul3A_156 = arith.muli %add3A_154, %mul3A_155 : i32
      %add3A_157 = arith.addi %mul3A_6, %mul3A_156 : i32
      %dma_start3A_158 = arith.constant 0 : i32
      %dma_start3A_159 = arith.constant 0 : i32
      %dma_start3A_160 = tpu.memref_slice %arg7[%dma_start3A_158, %dma_start3A_159] : memref<2x128xi32, #tpu.memory_space<vmem>> -> memref<1x128xi32, #tpu.memory_space<vmem>>
      %dma_start3A_161 = tpu.memref_squeeze %dma_start3A_160 : memref<1x128xi32, #tpu.memory_space<vmem>> -> memref<128xi32, #tpu.memory_space<vmem>>
      %dma_start3A_162 = tpu.memref_slice %arg3[%add3A_157] : memref<327936xi32, #tpu.memory_space<hbm>> -> memref<128xi32, #tpu.memory_space<hbm>>
      %dma_start3A_163 = arith.constant 0 : i32
      %dma_start3A_164 = tpu.memref_slice %arg7[%dma_start3A_158, %dma_start3A_163] : memref<2x128xi32, #tpu.memory_space<vmem>> -> memref<1x128xi32, #tpu.memory_space<vmem>>
      %dma_start3A_165 = tpu.memref_squeeze %dma_start3A_164 : memref<1x128xi32, #tpu.memory_space<vmem>> -> memref<128xi32, #tpu.memory_space<vmem>>
      %dma_start3A_166 = tpu.memref_slice %arg3[%add3A_157] : memref<327936xi32, #tpu.memory_space<hbm>> -> memref<128xi32, #tpu.memory_space<hbm>>
      tpu.enqueue_dma source(%dma_start3A_166 : memref<128xi32, #tpu.memory_space<hbm>>) target(%dma_start3A_165 : memref<128xi32, #tpu.memory_space<vmem>>) target_semaphore(%arg11 : memref<!tpu.dma_semaphore, #tpu.memory_space<semaphore_mem>>)
      %dma_start3A_167 = arith.constant 0 : i32
      %dma_start3A_168 = arith.constant 0 : i32
      %dma_start3A_169 = tpu.memref_slice %arg8[%dma_start3A_167, %dma_start3A_168] : memref<2x128xi32, #tpu.memory_space<vmem>> -> memref<1x128xi32, #tpu.memory_space<vmem>>
      %dma_start3A_170 = tpu.memref_squeeze %dma_start3A_169 : memref<1x128xi32, #tpu.memory_space<vmem>> -> memref<128xi32, #tpu.memory_space<vmem>>
      %dma_start3A_171 = tpu.memref_slice %arg4[%add3A_157] : memref<327936xi32, #tpu.memory_space<hbm>> -> memref<128xi32, #tpu.memory_space<hbm>>
      %dma_start3A_172 = arith.constant 0 : i32
      %dma_start3A_173 = tpu.memref_slice %arg8[%dma_start3A_167, %dma_start3A_172] : memref<2x128xi32, #tpu.memory_space<vmem>> -> memref<1x128xi32, #tpu.memory_space<vmem>>
      %dma_start3A_174 = tpu.memref_squeeze %dma_start3A_173 : memref<1x128xi32, #tpu.memory_space<vmem>> -> memref<128xi32, #tpu.memory_space<vmem>>
      %dma_start3A_175 = tpu.memref_slice %arg4[%add3A_157] : memref<327936xi32, #tpu.memory_space<hbm>> -> memref<128xi32, #tpu.memory_space<hbm>>
      tpu.enqueue_dma source(%dma_start3A_175 : memref<128xi32, #tpu.memory_space<hbm>>) target(%dma_start3A_174 : memref<128xi32, #tpu.memory_space<vmem>>) target_semaphore(%arg11 : memref<!tpu.dma_semaphore, #tpu.memory_space<semaphore_mem>>)
      %dma_wait3A_176 = arith.constant 0 : i32
      %dma_wait3A_177 = arith.constant 0 : i32
      %dma_wait3A_178 = tpu.memref_slice %arg7[%dma_wait3A_176, %dma_wait3A_177] : memref<2x128xi32, #tpu.memory_space<vmem>> -> memref<1x128xi32, #tpu.memory_space<vmem>>
      %dma_wait3A_179 = tpu.memref_squeeze %dma_wait3A_178 : memref<1x128xi32, #tpu.memory_space<vmem>> -> memref<128xi32, #tpu.memory_space<vmem>>
      %dma_wait3A_180 = arith.constant 0 : i32
      %dma_wait3A_181 = tpu.memref_slice %arg3[%dma_wait3A_180] : memref<327936xi32, #tpu.memory_space<hbm>> -> memref<128xi32, #tpu.memory_space<hbm>>
      %dma_wait3A_182 = arith.constant 0 : i32
      %dma_wait3A_183 = tpu.memref_slice %arg7[%dma_wait3A_176, %dma_wait3A_182] : memref<2x128xi32, #tpu.memory_space<vmem>> -> memref<1x128xi32, #tpu.memory_space<vmem>>
      %dma_wait3A_184 = tpu.memref_squeeze %dma_wait3A_183 : memref<1x128xi32, #tpu.memory_space<vmem>> -> memref<128xi32, #tpu.memory_space<vmem>>
      %dma_wait3A_185 = arith.constant 0 : i32
      %dma_wait3A_186 = tpu.memref_slice %arg3[%dma_wait3A_185] : memref<327936xi32, #tpu.memory_space<hbm>> -> memref<128xi32, #tpu.memory_space<hbm>>
      tpu.wait_dma2 semaphore(%arg11 : memref<!tpu.dma_semaphore, #tpu.memory_space<semaphore_mem>>) src(%dma_wait3A_186 : memref<128xi32, #tpu.memory_space<hbm>>) dst(%dma_wait3A_184 : memref<128xi32, #tpu.memory_space<vmem>>)
      %dma_wait3A_187 = arith.constant 0 : i32
      %dma_wait3A_188 = arith.constant 0 : i32
      %dma_wait3A_189 = tpu.memref_slice %arg8[%dma_wait3A_187, %dma_wait3A_188] : memref<2x128xi32, #tpu.memory_space<vmem>> -> memref<1x128xi32, #tpu.memory_space<vmem>>
      %dma_wait3A_190 = tpu.memref_squeeze %dma_wait3A_189 : memref<1x128xi32, #tpu.memory_space<vmem>> -> memref<128xi32, #tpu.memory_space<vmem>>
      %dma_wait3A_191 = arith.constant 0 : i32
      %dma_wait3A_192 = tpu.memref_slice %arg3[%dma_wait3A_191] : memref<327936xi32, #tpu.memory_space<hbm>> -> memref<128xi32, #tpu.memory_space<hbm>>
      %dma_wait3A_193 = arith.constant 0 : i32
      %dma_wait3A_194 = tpu.memref_slice %arg8[%dma_wait3A_187, %dma_wait3A_193] : memref<2x128xi32, #tpu.memory_space<vmem>> -> memref<1x128xi32, #tpu.memory_space<vmem>>
      %dma_wait3A_195 = tpu.memref_squeeze %dma_wait3A_194 : memref<1x128xi32, #tpu.memory_space<vmem>> -> memref<128xi32, #tpu.memory_space<vmem>>
      %dma_wait3A_196 = arith.constant 0 : i32
      %dma_wait3A_197 = tpu.memref_slice %arg3[%dma_wait3A_196] : memref<327936xi32, #tpu.memory_space<hbm>> -> memref<128xi32, #tpu.memory_space<hbm>>
      tpu.wait_dma2 semaphore(%arg11 : memref<!tpu.dma_semaphore, #tpu.memory_space<semaphore_mem>>) src(%dma_wait3A_197 : memref<128xi32, #tpu.memory_space<hbm>>) dst(%dma_wait3A_195 : memref<128xi32, #tpu.memory_space<vmem>>)
      %dma_wait3A_198 = arith.constant 0 : i32
      %dma_wait3A_199 = arith.constant 0 : i32
      %dma_wait3A_200 = tpu.memref_slice %arg2[%dma_wait3A_198, %dma_wait3A_199] : memref<10000x128xf32, #tpu.memory_space<hbm>> -> memref<128x128xf32, #tpu.memory_space<hbm>>
      %dma_wait3A_201 = arith.constant 0 : i32
      %dma_wait3A_202 = arith.constant 0 : i32
      %dma_wait3A_203 = tpu.memref_slice %arg2[%dma_wait3A_201, %dma_wait3A_202] : memref<10000x128xf32, #tpu.memory_space<hbm>> -> memref<128x128xf32, #tpu.memory_space<hbm>>
      tpu.wait_dma2 semaphore(%arg14 : memref<!tpu.dma_semaphore, #tpu.memory_space<semaphore_mem>>) src(%dma_wait3A_203 : memref<128x128xf32, #tpu.memory_space<hbm>>) dst(%arg10 : memref<128x128xf32, #tpu.memory_space<vmem>>)
      %dma_start3A_204 = arith.constant 0 : i32
      %dma_start3A_205 = arith.constant 0 : i32
      %dma_start3A_206 = tpu.memref_slice %arg7[%dma_start3A_204, %dma_start3A_205] : memref<2x128xi32, #tpu.memory_space<vmem>> -> memref<1x128xi32, #tpu.memory_space<vmem>>
      %dma_start3A_207 = tpu.memref_squeeze %dma_start3A_206 : memref<1x128xi32, #tpu.memory_space<vmem>> -> memref<128xi32, #tpu.memory_space<vmem>>
      %dma_start3A_208 = arith.constant 0 : i32
      %dma_start3A_209 = arith.constant 0 : i32
      %dma_start3A_210 = tpu.memref_slice %arg2[%dma_start3A_208, %dma_start3A_209] : memref<10000x128xf32, #tpu.memory_space<hbm>> -> memref<10000x128xf32, #tpu.memory_space<hbm>>
      tpu.enqueue_indirect_dma source(%dma_start3A_210 : memref<10000x128xf32, #tpu.memory_space<hbm>>) target(%arg9 : memref<128x128xf32, #tpu.memory_space<vmem>>) offsets(%dma_start3A_207 : memref<128xi32, #tpu.memory_space<vmem>>) semaphore(%arg13 : memref<!tpu.dma_semaphore, #tpu.memory_space<semaphore_mem>>)
      %run_scoped3A_211 = arith.constant 1 : i32
      "tpu.region"() ({
        %run_scoped3A_235 = tpu.sem_alloc : memref<!tpu.dma_semaphore, #tpu.memory_space<semaphore_mem>>
        %dma_start3A_236 = arith.constant 0 : i32
        %dma_start3A_237 = tpu.memref_slice %arg8[%run_scoped3A_211, %dma_start3A_236] : memref<2x128xi32, #tpu.memory_space<vmem>> -> memref<1x128xi32, #tpu.memory_space<vmem>>
        %dma_start3A_238 = tpu.memref_squeeze %dma_start3A_237 : memref<1x128xi32, #tpu.memory_space<vmem>> -> memref<128xi32, #tpu.memory_space<vmem>>
        %dma_start3A_239 = arith.constant 0 : i32
        %dma_start3A_240 = arith.constant 0 : i32
        %dma_start3A_241 = tpu.memref_slice %arg15[%dma_start3A_239, %dma_start3A_240] : memref<10112x128xf32, #tpu.memory_space<vmem_shared>> -> memref<10112x128xf32, #tpu.memory_space<vmem_shared>>
        tpu.enqueue_indirect_dma source(%arg10 : memref<128x128xf32, #tpu.memory_space<vmem>>) target(%dma_start3A_241 : memref<10112x128xf32, #tpu.memory_space<vmem_shared>>) offsets(%dma_start3A_238 : memref<128xi32, #tpu.memory_space<vmem>>) semaphore(%run_scoped3A_235 : memref<!tpu.dma_semaphore, #tpu.memory_space<semaphore_mem>>) {add = true}
        %dma_wait3A_242 = arith.constant 0 : i32
        %dma_wait3A_243 = tpu.memref_slice %arg8[%run_scoped3A_211, %dma_wait3A_242] : memref<2x128xi32, #tpu.memory_space<vmem>> -> memref<1x128xi32, #tpu.memory_space<vmem>>
        %dma_wait3A_244 = tpu.memref_squeeze %dma_wait3A_243 : memref<1x128xi32, #tpu.memory_space<vmem>> -> memref<128xi32, #tpu.memory_space<vmem>>
        %dma_wait3A_245 = arith.constant 0 : i32
        %dma_wait3A_246 = arith.constant 0 : i32
        %dma_wait3A_247 = tpu.memref_slice %arg15[%dma_wait3A_245, %dma_wait3A_246] : memref<10112x128xf32, #tpu.memory_space<vmem_shared>> -> memref<10112x128xf32, #tpu.memory_space<vmem_shared>>
        tpu.wait_indirect_dma semaphore(%run_scoped3A_235 : memref<!tpu.dma_semaphore, #tpu.memory_space<semaphore_mem>>) src(%arg10 : memref<128x128xf32, #tpu.memory_space<vmem>>) dst(%dma_wait3A_247 : memref<10112x128xf32, #tpu.memory_space<vmem_shared>>)
        tpu.yield
      }) : () -> ()
      %add3A_212 = arith.constant 3 : i32
      %add3A_213 = arith.addi %mul3A_117, %add3A_212 : i32
      %mul3A_214 = arith.constant 128 : i32
      %mul3A_215 = arith.muli %add3A_213, %mul3A_214 : i32
      %add3A_216 = arith.addi %mul3A_6, %mul3A_215 : i32
      %dma_start3A_217 = arith.constant 1 : i32
      %dma_start3A_218 = arith.constant 0 : i32
      %dma_start3A_219 = tpu.memref_slice %arg7[%dma_start3A_217, %dma_start3A_218] : memref<2x128xi32, #tpu.memory_space<vmem>> -> memref<1x128xi32, #tpu.memory_space<vmem>>
      %dma_start3A_220 = tpu.memref_squeeze %dma_start3A_219 : memref<1x128xi32, #tpu.memory_space<vmem>> -> memref<128xi32, #tpu.memory_space<vmem>>
      %dma_start3A_221 = tpu.memref_slice %arg3[%add3A_216] : memref<327936xi32, #tpu.memory_space<hbm>> -> memref<128xi32, #tpu.memory_space<hbm>>
      %dma_start3A_222 = arith.constant 0 : i32
      %dma_start3A_223 = tpu.memref_slice %arg7[%dma_start3A_217, %dma_start3A_222] : memref<2x128xi32, #tpu.memory_space<vmem>> -> memref<1x128xi32, #tpu.memory_space<vmem>>
      %dma_start3A_224 = tpu.memref_squeeze %dma_start3A_223 : memref<1x128xi32, #tpu.memory_space<vmem>> -> memref<128xi32, #tpu.memory_space<vmem>>
      %dma_start3A_225 = tpu.memref_slice %arg3[%add3A_216] : memref<327936xi32, #tpu.memory_space<hbm>> -> memref<128xi32, #tpu.memory_space<hbm>>
      tpu.enqueue_dma source(%dma_start3A_225 : memref<128xi32, #tpu.memory_space<hbm>>) target(%dma_start3A_224 : memref<128xi32, #tpu.memory_space<vmem>>) target_semaphore(%arg12 : memref<!tpu.dma_semaphore, #tpu.memory_space<semaphore_mem>>)
      %dma_start3A_226 = arith.constant 1 : i32
      %dma_start3A_227 = arith.constant 0 : i32
      %dma_start3A_228 = tpu.memref_slice %arg8[%dma_start3A_226, %dma_start3A_227] : memref<2x128xi32, #tpu.memory_space<vmem>> -> memref<1x128xi32, #tpu.memory_space<vmem>>
      %dma_start3A_229 = tpu.memref_squeeze %dma_start3A_228 : memref<1x128xi32, #tpu.memory_space<vmem>> -> memref<128xi32, #tpu.memory_space<vmem>>
      %dma_start3A_230 = tpu.memref_slice %arg4[%add3A_216] : memref<327936xi32, #tpu.memory_space<hbm>> -> memref<128xi32, #tpu.memory_space<hbm>>
      %dma_start3A_231 = arith.constant 0 : i32
      %dma_start3A_232 = tpu.memref_slice %arg8[%dma_start3A_226, %dma_start3A_231] : memref<2x128xi32, #tpu.memory_space<vmem>> -> memref<1x128xi32, #tpu.memory_space<vmem>>
      %dma_start3A_233 = tpu.memref_squeeze %dma_start3A_232 : memref<1x128xi32, #tpu.memory_space<vmem>> -> memref<128xi32, #tpu.memory_space<vmem>>
      %dma_start3A_234 = tpu.memref_slice %arg4[%add3A_216] : memref<327936xi32, #tpu.memory_space<hbm>> -> memref<128xi32, #tpu.memory_space<hbm>>
      tpu.enqueue_dma source(%dma_start3A_234 : memref<128xi32, #tpu.memory_space<hbm>>) target(%dma_start3A_233 : memref<128xi32, #tpu.memory_space<vmem>>) target_semaphore(%arg12 : memref<!tpu.dma_semaphore, #tpu.memory_space<semaphore_mem>>)
    }
    %scan3A_78 = arith.constant 40 : i32
    %dma_wait3A_79 = arith.constant 0 : i32
    %dma_wait3A_80 = arith.constant 0 : i32
    %dma_wait3A_81 = tpu.memref_slice %arg2[%dma_wait3A_79, %dma_wait3A_80] : memref<10000x128xf32, #tpu.memory_space<hbm>> -> memref<128x128xf32, #tpu.memory_space<hbm>>
    %dma_wait3A_82 = arith.constant 0 : i32
    %dma_wait3A_83 = arith.constant 0 : i32
    %dma_wait3A_84 = tpu.memref_slice %arg2[%dma_wait3A_82, %dma_wait3A_83] : memref<10000x128xf32, #tpu.memory_space<hbm>> -> memref<128x128xf32, #tpu.memory_space<hbm>>
    tpu.wait_dma2 semaphore(%arg13 : memref<!tpu.dma_semaphore, #tpu.memory_space<semaphore_mem>>) src(%dma_wait3A_84 : memref<128x128xf32, #tpu.memory_space<hbm>>) dst(%arg9 : memref<128x128xf32, #tpu.memory_space<vmem>>)
    %dma_wait3A_85 = arith.constant 1 : i32
    %dma_wait3A_86 = arith.constant 0 : i32
    %dma_wait3A_87 = tpu.memref_slice %arg7[%dma_wait3A_85, %dma_wait3A_86] : memref<2x128xi32, #tpu.memory_space<vmem>> -> memref<1x128xi32, #tpu.memory_space<vmem>>
    %dma_wait3A_88 = tpu.memref_squeeze %dma_wait3A_87 : memref<1x128xi32, #tpu.memory_space<vmem>> -> memref<128xi32, #tpu.memory_space<vmem>>
    %dma_wait3A_89 = arith.constant 0 : i32
    %dma_wait3A_90 = tpu.memref_slice %arg3[%dma_wait3A_89] : memref<327936xi32, #tpu.memory_space<hbm>> -> memref<128xi32, #tpu.memory_space<hbm>>
    %dma_wait3A_91 = arith.constant 0 : i32
    %dma_wait3A_92 = tpu.memref_slice %arg7[%dma_wait3A_85, %dma_wait3A_91] : memref<2x128xi32, #tpu.memory_space<vmem>> -> memref<1x128xi32, #tpu.memory_space<vmem>>
    %dma_wait3A_93 = tpu.memref_squeeze %dma_wait3A_92 : memref<1x128xi32, #tpu.memory_space<vmem>> -> memref<128xi32, #tpu.memory_space<vmem>>
    %dma_wait3A_94 = arith.constant 0 : i32
    %dma_wait3A_95 = tpu.memref_slice %arg3[%dma_wait3A_94] : memref<327936xi32, #tpu.memory_space<hbm>> -> memref<128xi32, #tpu.memory_space<hbm>>
    tpu.wait_dma2 semaphore(%arg12 : memref<!tpu.dma_semaphore, #tpu.memory_space<semaphore_mem>>) src(%dma_wait3A_95 : memref<128xi32, #tpu.memory_space<hbm>>) dst(%dma_wait3A_93 : memref<128xi32, #tpu.memory_space<vmem>>)
    %dma_wait3A_96 = arith.constant 1 : i32
    %dma_wait3A_97 = arith.constant 0 : i32
    %dma_wait3A_98 = tpu.memref_slice %arg8[%dma_wait3A_96, %dma_wait3A_97] : memref<2x128xi32, #tpu.memory_space<vmem>> -> memref<1x128xi32, #tpu.memory_space<vmem>>
    %dma_wait3A_99 = tpu.memref_squeeze %dma_wait3A_98 : memref<1x128xi32, #tpu.memory_space<vmem>> -> memref<128xi32, #tpu.memory_space<vmem>>
    %dma_wait3A_100 = arith.constant 0 : i32
    %dma_wait3A_101 = tpu.memref_slice %arg3[%dma_wait3A_100] : memref<327936xi32, #tpu.memory_space<hbm>> -> memref<128xi32, #tpu.memory_space<hbm>>
    %dma_wait3A_102 = arith.constant 0 : i32
    %dma_wait3A_103 = tpu.memref_slice %arg8[%dma_wait3A_96, %dma_wait3A_102] : memref<2x128xi32, #tpu.memory_space<vmem>> -> memref<1x128xi32, #tpu.memory_space<vmem>>
    %dma_wait3A_104 = tpu.memref_squeeze %dma_wait3A_103 : memref<1x128xi32, #tpu.memory_space<vmem>> -> memref<128xi32, #tpu.memory_space<vmem>>
    %dma_wait3A_105 = arith.constant 0 : i32
    %dma_wait3A_106 = tpu.memref_slice %arg3[%dma_wait3A_105] : memref<327936xi32, #tpu.memory_space<hbm>> -> memref<128xi32, #tpu.memory_space<hbm>>
    tpu.wait_dma2 semaphore(%arg12 : memref<!tpu.dma_semaphore, #tpu.memory_space<semaphore_mem>>) src(%dma_wait3A_106 : memref<128xi32, #tpu.memory_space<hbm>>) dst(%dma_wait3A_104 : memref<128xi32, #tpu.memory_space<vmem>>)
    %barrier3A_107 = arith.constant 0 : index
    tpu.barrier barrier_id(%barrier3A_107)
    %mul3A_108 = arith.constant 632 : i32
    %mul3A_109 = arith.muli %arg1, %mul3A_108 : i32
    %mul3A_110 = arith.constant 10112 : i32
    %mul3A_111 = arith.muli %arg0, %mul3A_110 : i32
    %mul3A_112 = arith.constant 632 : i32
    %mul3A_113 = arith.muli %arg1, %mul3A_112 : i32
    %add3A_114 = arith.addi %mul3A_111, %mul3A_113 : i32
    "tpu.region"() ({
      %run_scoped3A = tpu.sem_alloc : memref<!tpu.dma_semaphore, #tpu.memory_space<semaphore_mem>>
      %dma_start3A_115 = arith.constant 0 : i32
      %dma_start3A_116 = tpu.memref_slice %arg6[%add3A_114, %dma_start3A_115] : memref<20224x128xf32, #tpu.memory_space<hbm>> -> memref<632x128xf32, #tpu.memory_space<hbm>>
      %dma_start3A_117 = arith.constant 0 : i32
      %dma_start3A_118 = tpu.memref_slice %arg15[%mul3A_109, %dma_start3A_117] : memref<10112x128xf32, #tpu.memory_space<vmem_shared>> -> memref<632x128xf32, #tpu.memory_space<vmem_shared>>
      tpu.enqueue_dma source(%dma_start3A_118 : memref<632x128xf32, #tpu.memory_space<vmem_shared>>) target(%dma_start3A_116 : memref<632x128xf32, #tpu.memory_space<hbm>>) target_semaphore(%run_scoped3A : memref<!tpu.dma_semaphore, #tpu.memory_space<semaphore_mem>>)
      %dma_wait3A_119 = arith.constant 0 : i32
      %dma_wait3A_120 = tpu.memref_slice %arg6[%add3A_114, %dma_wait3A_119] : memref<20224x128xf32, #tpu.memory_space<hbm>> -> memref<632x128xf32, #tpu.memory_space<hbm>>
      %dma_wait3A_121 = arith.constant 0 : i32
      %dma_wait3A_122 = tpu.memref_slice %arg15[%mul3A_109, %dma_wait3A_121] : memref<10112x128xf32, #tpu.memory_space<vmem_shared>> -> memref<632x128xf32, #tpu.memory_space<vmem_shared>>
      tpu.wait_dma2 semaphore(%run_scoped3A : memref<!tpu.dma_semaphore, #tpu.memory_space<semaphore_mem>>) src(%dma_wait3A_122 : memref<632x128xf32, #tpu.memory_space<vmem_shared>>) dst(%dma_wait3A_120 : memref<632x128xf32, #tpu.memory_space<hbm>>)
      tpu.yield
    }) : () -> ()
    return
  }
}

module attributes {stable_mosaic.version = 14 : i64} {
  func.func @body(%arg0: memref<2x10112x128xf32, #tpu.memory_space<vmem>>, %arg1: memref<10000x128xf32, #tpu.memory_space<vmem>>, %arg2: memref<10000x128xf32, #tpu.memory_space<vmem>>, %arg3: memref<10112x1xf32, #tpu.memory_space<vmem>>) attributes {dimension_semantics = [], scalar_prefetch = 0 : i64, scratch_operands = 0 : i64, tpu.core_type = #tpu.core_type<tc>} {
    %get3A = arith.constant 0 : index
    %get3A_0 = arith.constant 0 : index
    %get3A_1 = arith.constant 0 : index
    %get3A_2 = vector.load %arg0[%get3A, %get3A_0, %get3A_1] : memref<2x10112x128xf32, #tpu.memory_space<vmem>>, vector<1x10112x128xf32>
    %get3A_3 = vector.shape_cast %get3A_2 : vector<1x10112x128xf32> to vector<10112x128xf32>
    %get3A_4 = arith.constant 1 : index
    %get3A_5 = arith.constant 0 : index
    %get3A_6 = arith.constant 0 : index
    %get3A_7 = vector.load %arg0[%get3A_4, %get3A_5, %get3A_6] : memref<2x10112x128xf32, #tpu.memory_space<vmem>>, vector<1x10112x128xf32>
    %get3A_8 = vector.shape_cast %get3A_7 : vector<1x10112x128xf32> to vector<10112x128xf32>
    %add3A = arith.addf %get3A_3, %get3A_8 : vector<10112x128xf32>
    %slice3A = vector.extract_strided_slice %add3A {offsets = [0, 0], sizes = [10112, 1], strides = [1, 1]} : vector<10112x128xf32> to vector<10112x1xf32>
    %add3A_9 = arith.constant 1.000000e+00 : f32
    %add3A_10 = vector.broadcast %add3A_9 : f32 to vector<10112x1xf32>
    %add3A_11 = arith.addf %slice3A, %add3A_10 : vector<10112x1xf32>
    %rsqrt3A = math.rsqrt %add3A_11 : vector<10112x1xf32>
    %swap3A = arith.constant 0 : index
    %swap3A_12 = arith.constant 0 : index
    %swap3A_13 = vector.load %arg3[%swap3A, %swap3A_12] : memref<10112x1xf32, #tpu.memory_space<vmem>>, vector<10112x1xf32>
    tpu.vector_store %arg3[%swap3A, %swap3A_12], %rsqrt3A {strides = array<i32>} : memref<10112x1xf32, #tpu.memory_space<vmem>>, vector<10112x1xf32>,
    %get3A_14 = arith.constant 0 : index
    %get3A_15 = arith.constant 0 : index
    %get3A_16 = vector.load %arg1[%get3A_14, %get3A_15] : memref<10000x128xf32, #tpu.memory_space<vmem>>, vector<10000x128xf32>
    %slice3A_17 = vector.extract_strided_slice %rsqrt3A {offsets = [0, 0], sizes = [10000, 1], strides = [1, 1]} : vector<10112x1xf32> to vector<10000x1xf32>
    %mul3A = vector.broadcast %slice3A_17 : vector<10000x1xf32> to vector<10000x128xf32>
    %mul3A_18 = arith.mulf %get3A_16, %mul3A : vector<10000x128xf32>
    %swap3A_19 = arith.constant 0 : index
    %swap3A_20 = arith.constant 0 : index
    %swap3A_21 = vector.load %arg2[%swap3A_19, %swap3A_20] : memref<10000x128xf32, #tpu.memory_space<vmem>>, vector<10000x128xf32>
    tpu.vector_store %arg2[%swap3A_19, %swap3A_20], %mul3A_18 {strides = array<i32>} : memref<10000x128xf32, #tpu.memory_space<vmem>>, vector<10000x128xf32>,
    return
  }
}

module attributes {stable_mosaic.version = 14 : i64} {
  func.func @body(%arg0: i32, %arg1: memref<1x1000x128xf32, #tpu.memory_space<vmem>>, %arg2: memref<1x1000x128xf32, #tpu.memory_space<vmem>>, %arg3: memref<1000x128xf32, #tpu.memory_space<vmem>>, %arg4: memref<1000x1xf32, #tpu.memory_space<vmem>>, %arg5: memref<128x512xf32, #tpu.memory_space<vmem>>, %arg6: memref<1x512xf32, #tpu.memory_space<vmem>>, %arg7: memref<512x64xf32, #tpu.memory_space<vmem>>, %arg8: memref<1x64xf32, #tpu.memory_space<vmem>>, %arg9: memref<64x1xf32, #tpu.memory_space<vmem>>, %arg10: memref<1x1xf32, #tpu.memory_space<vmem>>, %arg11: memref<1000x1xf32, #tpu.memory_space<vmem>>) attributes {dimension_semantics = [#tpu.dimension_semantics<arbitrary>], iteration_bounds = array<i64: 10>, scalar_prefetch = 0 : i64, scratch_operands = 0 : i64, tpu.core_type = #tpu.core_type<tc>, window_params = [{transform_indices = @transform_0, window_bounds = array<i64: 1, 1000, 128>}, {transform_indices = @transform_1, window_bounds = array<i64: 1, 1000, 128>}, {transform_indices = @transform_2, window_bounds = array<i64: 1000, 128>}, {transform_indices = @transform_3, window_bounds = array<i64: 1000, 1>}, {pipeline_mode = #tpu.pipeline_mode<synchronous>, transform_indices = @transform_4, window_bounds = array<i64: 128, 512>}, {pipeline_mode = #tpu.pipeline_mode<synchronous>, transform_indices = @transform_5, window_bounds = array<i64: 1, 512>}, {pipeline_mode = #tpu.pipeline_mode<synchronous>, transform_indices = @transform_6, window_bounds = array<i64: 512, 64>}, {pipeline_mode = #tpu.pipeline_mode<synchronous>, transform_indices = @transform_7, window_bounds = array<i64: 1, 64>}, {pipeline_mode = #tpu.pipeline_mode<synchronous>, transform_indices = @transform_8, window_bounds = array<i64: 64, 1>}, {pipeline_mode = #tpu.pipeline_mode<synchronous>, transform_indices = @transform_9, window_bounds = array<i64: 1, 1>}, {transform_indices = @transform_10, window_bounds = array<i64: 1000, 1>}]} {
    %get3A = arith.constant 0 : index
    %get3A_0 = arith.constant 0 : index
    %get3A_1 = arith.constant 0 : index
    %get3A_2 = vector.load %arg1[%get3A, %get3A_0, %get3A_1] : memref<1x1000x128xf32, #tpu.memory_space<vmem>>, vector<1x1000x128xf32>
    %get3A_3 = vector.shape_cast %get3A_2 : vector<1x1000x128xf32> to vector<1000x128xf32>
    %get3A_4 = arith.constant 0 : index
    %get3A_5 = arith.constant 0 : index
    %get3A_6 = arith.constant 0 : index
    %get3A_7 = vector.load %arg2[%get3A_4, %get3A_5, %get3A_6] : memref<1x1000x128xf32, #tpu.memory_space<vmem>>, vector<1x1000x128xf32>
    %get3A_8 = vector.shape_cast %get3A_7 : vector<1x1000x128xf32> to vector<1000x128xf32>
    %add3A = arith.addf %get3A_3, %get3A_8 : vector<1000x128xf32>
    %get3A_9 = arith.constant 0 : index
    %get3A_10 = arith.constant 0 : index
    %get3A_11 = vector.load %arg3[%get3A_9, %get3A_10] : memref<1000x128xf32, #tpu.memory_space<vmem>>, vector<1000x128xf32>
    %add3A_12 = arith.addf %add3A, %get3A_11 : vector<1000x128xf32>
    %get3A_13 = arith.constant 0 : index
    %get3A_14 = arith.constant 0 : index
    %get3A_15 = vector.load %arg4[%get3A_13, %get3A_14] : memref<1000x1xf32, #tpu.memory_space<vmem>>, vector<1000x1xf32>
    %mul3A = vector.broadcast %get3A_15 : vector<1000x1xf32> to vector<1000x128xf32>
    %mul3A_16 = arith.mulf %add3A_12, %mul3A : vector<1000x128xf32>
    %get3A_17 = arith.constant 0 : index
    %get3A_18 = arith.constant 0 : index
    %get3A_19 = vector.load %arg5[%get3A_17, %get3A_18] : memref<128x512xf32, #tpu.memory_space<vmem>>, vector<128x512xf32>
    %dot_general3A = arith.constant dense<0.000000e+00> : vector<1000x512xf32>
    %dot_general3A_20 = tpu.matmul %mul3A_16, %get3A_19, %dot_general3A {dimension_numbers = #tpu.dot_dimension_numbers<[1], [0], [0], [1], [0, 0, 1, 1], [], []>, transpose_lhs_hint = false} : vector<1000x128xf32>, vector<128x512xf32>, vector<1000x512xf32> -> vector<1000x512xf32>
    %get3A_21 = arith.constant 0 : index
    %get3A_22 = arith.constant 0 : index
    %get3A_23 = vector.load %arg6[%get3A_21, %get3A_22] : memref<1x512xf32, #tpu.memory_space<vmem>>, vector<1x512xf32>
    %add3A_24 = vector.broadcast %get3A_23 : vector<1x512xf32> to vector<1000x512xf32>
    %add3A_25 = arith.addf %dot_general3A_20, %add3A_24 : vector<1000x512xf32>
    %max3A = arith.constant 0.000000e+00 : f32
    %max3A_26 = vector.broadcast %max3A : f32 to vector<1000x512xf32>
    %max3A_27 = arith.maximumf %add3A_25, %max3A_26 : vector<1000x512xf32>
    %get3A_28 = arith.constant 0 : index
    %get3A_29 = arith.constant 0 : index
    %get3A_30 = vector.load %arg7[%get3A_28, %get3A_29] : memref<512x64xf32, #tpu.memory_space<vmem>>, vector<512x64xf32>
    %dot_general3A_31 = arith.constant dense<0.000000e+00> : vector<1000x64xf32>
    %dot_general3A_32 = tpu.matmul %max3A_27, %get3A_30, %dot_general3A_31 {dimension_numbers = #tpu.dot_dimension_numbers<[1], [0], [0], [1], [0, 0, 1, 1], [], []>, transpose_lhs_hint = false} : vector<1000x512xf32>, vector<512x64xf32>, vector<1000x64xf32> -> vector<1000x64xf32>
    %get3A_33 = arith.constant 0 : index
    %get3A_34 = arith.constant 0 : index
    %get3A_35 = vector.load %arg8[%get3A_33, %get3A_34] : memref<1x64xf32, #tpu.memory_space<vmem>>, vector<1x64xf32>
    %add3A_36 = vector.broadcast %get3A_35 : vector<1x64xf32> to vector<1000x64xf32>
    %add3A_37 = arith.addf %dot_general3A_32, %add3A_36 : vector<1000x64xf32>
    %max3A_38 = arith.constant 0.000000e+00 : f32
    %max3A_39 = vector.broadcast %max3A_38 : f32 to vector<1000x64xf32>
    %max3A_40 = arith.maximumf %add3A_37, %max3A_39 : vector<1000x64xf32>
    %get3A_41 = arith.constant 0 : index
    %get3A_42 = arith.constant 0 : index
    %get3A_43 = vector.load %arg9[%get3A_41, %get3A_42] : memref<64x1xf32, #tpu.memory_space<vmem>>, vector<64x1xf32>
    %dot_general3A_44 = arith.constant dense<0.000000e+00> : vector<1000x1xf32>
    %dot_general3A_45 = tpu.matmul %max3A_40, %get3A_43, %dot_general3A_44 {dimension_numbers = #tpu.dot_dimension_numbers<[1], [0], [0], [1], [0, 0, 1, 1], [], []>, transpose_lhs_hint = false} : vector<1000x64xf32>, vector<64x1xf32>, vector<1000x1xf32> -> vector<1000x1xf32>
    %get3A_46 = arith.constant 0 : index
    %get3A_47 = arith.constant 0 : index
    %get3A_48 = vector.load %arg10[%get3A_46, %get3A_47] : memref<1x1xf32, #tpu.memory_space<vmem>>, vector<1x1xf32>
    %add3A_49 = vector.broadcast %get3A_48 : vector<1x1xf32> to vector<1000x1xf32>
    %add3A_50 = arith.addf %dot_general3A_45, %add3A_49 : vector<1000x1xf32>
    %swap3A = arith.constant 0 : index
    %swap3A_51 = arith.constant 0 : index
    %swap3A_52 = vector.load %arg11[%swap3A, %swap3A_51] : memref<1000x1xf32, #tpu.memory_space<vmem>>, vector<1000x1xf32>
    tpu.vector_store %arg11[%swap3A, %swap3A_51], %add3A_50 {strides = array<i32>} : memref<1000x1xf32, #tpu.memory_space<vmem>>, vector<1000x1xf32>,
    return
  }
  func.func @transform_0(%arg0: i32) -> (i32, i32, i32) {
    %c0_i32 = arith.constant 0 : i32
    %c0_i32_0 = arith.constant 0 : i32
    %c0_i32_1 = arith.constant 0 : i32
    return %c0_i32, %arg0, %c0_i32_0 : i32, i32, i32
  }
  func.func @transform_1(%arg0: i32) -> (i32, i32, i32) {
    %c1_i32 = arith.constant 1 : i32
    %c0_i32 = arith.constant 0 : i32
    %c0_i32_0 = arith.constant 0 : i32
    return %c1_i32, %arg0, %c0_i32 : i32, i32, i32
  }
  func.func @transform_2(%arg0: i32) -> (i32, i32) {
    %c0_i32 = arith.constant 0 : i32
    %c0_i32_0 = arith.constant 0 : i32
    return %arg0, %c0_i32 : i32, i32
  }
  func.func @transform_3(%arg0: i32) -> (i32, i32) {
    %c0_i32 = arith.constant 0 : i32
    %c0_i32_0 = arith.constant 0 : i32
    return %arg0, %c0_i32 : i32, i32
  }
  func.func @transform_4(%arg0: i32) -> (i32, i32) {
    %c0_i32 = arith.constant 0 : i32
    %c0_i32_0 = arith.constant 0 : i32
    %c0_i32_1 = arith.constant 0 : i32
    return %c0_i32, %c0_i32_0 : i32, i32
  }
  func.func @transform_5(%arg0: i32) -> (i32, i32) {
    %c0_i32 = arith.constant 0 : i32
    %c0_i32_0 = arith.constant 0 : i32
    %c0_i32_1 = arith.constant 0 : i32
    return %c0_i32, %c0_i32_0 : i32, i32
  }
  func.func @transform_6(%arg0: i32) -> (i32, i32) {
    %c0_i32 = arith.constant 0 : i32
    %c0_i32_0 = arith.constant 0 : i32
    %c0_i32_1 = arith.constant 0 : i32
    return %c0_i32, %c0_i32_0 : i32, i32
  }
  func.func @transform_7(%arg0: i32) -> (i32, i32) {
    %c0_i32 = arith.constant 0 : i32
    %c0_i32_0 = arith.constant 0 : i32
    %c0_i32_1 = arith.constant 0 : i32
    return %c0_i32, %c0_i32_0 : i32, i32
  }
  func.func @transform_8(%arg0: i32) -> (i32, i32) {
    %c0_i32 = arith.constant 0 : i32
    %c0_i32_0 = arith.constant 0 : i32
    %c0_i32_1 = arith.constant 0 : i32
    return %c0_i32, %c0_i32_0 : i32, i32
  }
  func.func @transform_9(%arg0: i32) -> (i32, i32) {
    %c0_i32 = arith.constant 0 : i32
    %c0_i32_0 = arith.constant 0 : i32
    %c0_i32_1 = arith.constant 0 : i32
    return %c0_i32, %c0_i32_0 : i32, i32
  }
  func.func @transform_10(%arg0: i32) -> (i32, i32) {
    %c0_i32 = arith.constant 0 : i32
    %c0_i32_0 = arith.constant 0 : i32
    return %arg0, %c0_i32 : i32, i32
  }
}

</mosaic_0001>

<sc_bundles>
// kernel: kernel.6.cloned.1.call-start
scs
__scs_entry_jumppad:
0x0: {  	(pc) =	sbr.rel $0x88, $3  }
0x1: {  	(tag) =	ssettag $0x0;
	lr =	simm.s32 $0x1  }
0x2: {  	[smem:$0x3F99] =	sst lr;
	_ =	strace $0xD0000000  }
0x3: {  	_ = 	snop  }
0x4: {  	_ = 	snop  }
0x5: {  	_ = 	snop  }
0x6: {  	_ = 	snop  }
0x7: {  	_ = 	snop  }
__scs_overlays_trampoline_lowered:
0x8: {  	[smem:$0x3FA8] =	sst s0  }
0x9: {  	[smem:$0x3FA9] =	sst s1  }
0xa: {  	[smem:$0x3FAA] =	sst s2  }
0xb: {  	[smem:$0x3FAB] =	sst s3  }
0xc: {  	[smem:$0x3FAC] =	sst s4  }
0xd: {  	[smem:$0x3FAD] =	sst s5  }
0xe: {  	[smem:$0x3FAE] =	sst s6  }
0xf: {  	[smem:$0x3FAF] =	sst s7  }
0x10: {  	[smem:$0x3FB0] =	sst s8  }
0x11: {  	[smem:$0x3FB1] =	sst s9;
	s0 =	simm.s32 @!p0 $0x0  }
0x12: {  	s1 =	sld [smem:$0x3F97];
	s0 =	simm.s32 @p0 $0x1  }
0x13: {  	[smem:$0x3FB2] =	sst s0;
	s0 =	simm.s32 @!p1 $0x0  }
0x14: {  	s2 =	sld [smem:$0x3F96];
	s0 =	simm.s32 @p1 $0x1  }
0x15: {  	[smem:$0x3FB3] =	sst s0;
	s0 =	simm.s32 @!p2 $0x0  }
0x16: {  	s3 =	sld [smem:$0x3FDB];
	s0 =	simm.s32 @p2 $0x1  }
0x17: {  	s4 =	simm.s32 $0x1BF5;
	[smem:$0x3FB5] =	sst s0  }
0x18: {  	s0 =	sld [smem:$0x3F98];
	_ =	swait.ge [sflag:s4], $0x0  }
0x19: {  	s7 =	sld [smem:$0x3F99]  }
0x1a: {  	s8 =	sadd.s32 $0xFFFFE003, lr  }
0x1b: {  	s9 =	sadd.s32 $0xFFFFFEF7, lr;
	s5 =	simm.s32 $0xFFFFFFFF;
	p2 =	slt.u32 s8, $0xFFFFF086  }
0x1c: {  	p1 =	slt.u32 s9, $0xF7A;
	s5 =	simm.s32 @!p2 $0x0  }
0x1d: {  	s5 =	simm.s32 @p1 $0x1;
	p0 =	seq.s32 s7, s2  }
0x1e: {  	s7 =	smul.u32 @!p0 $0xF7A, s2;
	p2 =	seq.s32 @!p0 s5, $0x0  }
0x1f: {  	s9 =	smul.u32 $0xF7A, s1;
	s8 =	simm.s32 @!p0 $0x1BF5;
	p2 =	por !p2, p0  }
0x20: {  	[sflag:s8] =	ssyncset.s32 @!p0 $0xFFFFF086;
	s6 =	sadd.s32 @!p0 s3, s7;
	s7 =	simm.s32 @!p0 $0x108  }
0x21: {  	s3 =	sadd.s32 s3, s9;
	s6 =	sadd.s32 @!p0 $0x88, s6;
	s7 =	simm.s32 @p2 $0x1082  }
0x22: {  	[simem:s7], [sflag:s8] =	dma.local @!p0 [hbm:s6], $0xF7A  }
0x23: {  	s9 =	sor.u32 $0xD0000000, s2;
	s6 =	simm.s32 $0x108;
	_ =	swait.ge @!p0 [sflag:s8], $0x0  }
0x24: {  	s3 =	sadd.s32 $0x88, s3;
	s6 =	simm.s32 @!p1 $0x1082;
	[sflag:s4] =	ssyncset.s32 $0xFFFFF086  }
0x25: {  	[simem:s6], [sflag:s4] =	dma.local [hbm:s3], $0xF7A  }
0x26: {  	[smem:$0x3F99] =	sst s1;
	(tag) =	ssettag s2;
	_ =	strace s9  }
0x27: {  	s1 =	sld [smem:$0x3FA9]  }
0x28: {  	s2 =	sld [smem:$0x3FAA]  }
0x29: {  	s4 =	sld [smem:$0x3FAC]  }
0x2a: {  	p0 =	seq.s32 s5, $0x0;
	s5 =	sld [smem:$0x3FAD]  }
0x2b: {  	s6 =	sld [smem:$0x3FAE]  }
0x2c: {  	s7 =	sld [smem:$0x3FAF]  }
0x2d: {  	s3 =	simm.s32 $0x108;
	s8 =	sld [smem:$0x3FB0]  }
0x2e: {  	s3 =	simm.s32 @!p0 $0x1082;
	s9 =	sld [smem:$0x3FB1]  }
0x2f: {  	lr =	sadd.s32 s0, s3;
	s0 =	sld [smem:$0x3FA8]  }
0x30: {  	s3 =	sld [smem:$0x3FAB]  }
0x31: {  	[smem:$0x3FB4] =	sst s10  }
0x32: {  	s10 =	sld [smem:$0x3FB2];
	_ =	sdelay $0x3  }
0x33: {  	p0 =	seq.s32 s10, $0x1;
	s10 =	sld [smem:$0x3FB4];
	_ =	sdelay $0x3  }
0x34: {  	[smem:$0x3FB4] =	sst s10  }
0x35: {  	s10 =	sld [smem:$0x3FB3];
	_ =	sdelay $0x3  }
0x36: {  	p1 =	seq.s32 s10, $0x1;
	s10 =	sld [smem:$0x3FB4];
	_ =	sdelay $0x3  }
0x37: {  	[smem:$0x3FB4] =	sst s10  }
0x38: {  	s10 =	sld [smem:$0x3FB5]  }
0x39: {  	_ = 	snop;
	(pc) =	sbr.ind lr, $3  }
0x3a: {  	_ = 	snop  }
0x3b: {  	_ = 	snop  }
0x3c: {  	p2 =	seq.s32 s10, $0x1;
	s10 =	sld [smem:$0x3FB4]  }
0x3d: {  	_ =	shalt  }
0x3e: {  	_ =	shalt  }
0x3f: {  	_ =	shalt  }
0x40: {  	_ =	shalt  }
0x41: {  	_ =	shalt  }
0x42: {  	_ =	shalt  }
0x43: {  	_ =	shalt  }
0x44: {  	_ =	shalt  }
0x45: {  	_ =	shalt  }
0x46: {  	_ =	shalt  }
0x47: {  	_ =	shalt  }
0x48: {  	_ =	shalt  }
0x49: {  	_ =	shalt  }
0x4a: {  	_ =	shalt  }
0x4b: {  	_ =	shalt  }
0x4c: {  	_ =	shalt  }
0x4d: {  	_ =	shalt  }
0x4e: {  	_ =	shalt  }
0x4f: {  	_ =	shalt  }
0x50: {  	_ =	shalt  }
0x51: {  	_ =	shalt  }
0x52: {  	_ =	shalt  }
0x53: {  	_ =	shalt  }
0x54: {  	_ =	shalt  }
0x55: {  	_ =	shalt  }
0x56: {  	_ =	shalt  }
0x57: {  	_ =	shalt  }
0x58: {  	_ =	shalt  }
0x59: {  	_ =	shalt  }
0x5a: {  	_ =	shalt  }
0x5b: {  	_ =	shalt  }
0x5c: {  	_ =	shalt  }
0x5d: {  	_ =	shalt  }
0x5e: {  	_ =	shalt  }
0x5f: {  	_ =	shalt  }
0x60: {  	_ =	shalt  }
0x61: {  	_ =	shalt  }
0x62: {  	_ =	shalt  }
0x63: {  	_ =	shalt  }
0x64: {  	_ =	shalt  }
0x65: {  	_ =	shalt  }
0x66: {  	_ =	shalt  }
0x67: {  	_ =	shalt  }
0x68: {  	_ =	shalt  }
0x69: {  	_ =	shalt  }
0x6a: {  	_ =	shalt  }
0x6b: {  	_ =	shalt  }
0x6c: {  	_ =	shalt  }
0x6d: {  	_ =	shalt  }
0x6e: {  	_ =	shalt  }
0x6f: {  	_ =	shalt  }
0x70: {  	_ =	shalt  }
0x71: {  	_ =	shalt  }
0x72: {  	_ =	shalt  }
0x73: {  	_ =	shalt  }
0x74: {  	_ =	shalt  }
0x75: {  	_ =	shalt  }
0x76: {  	_ =	shalt  }
0x77: {  	_ =	shalt  }
0x78: {  	_ =	shalt  }
0x79: {  	_ =	shalt  }
0x7a: {  	_ =	shalt  }
0x7b: {  	_ =	shalt  }
0x7c: {  	_ =	shalt  }
0x7d: {  	_ =	shalt  }
0x7e: {  	_ =	shalt  }
0x7f: {  	_ =	shalt  }
0x80: {  	_ =	shalt  }
0x81: {  	_ =	shalt  }
0x82: {  	_ =	shalt  }
0x83: {  	_ =	shalt  }
0x84: {  	_ =	shalt  }
0x85: {  	_ =	shalt  }
0x86: {  	_ =	shalt  }
0x87: {  	_ =	shalt  }
.Lfunc_end0:
.L_simem_size_0:
called_computation_lowered:
.L_overlay_start_0:
0x88: {  	s2 =	sld [smem:$0x3FD9]  }
0x89: {  	s3 =	sld [smem:$0x3FFE];
	_ =	sdelay $0x1  }
0x8a: {  	s1 =	srdreg.scid  }
0x8b: {  	s0 =	sand.u32 $0x1, s1  }
0x8c: {  	s16 =	sshll.u32 s0, $0xA;
	s2 =	sadd.s32 s3, s2  }
0x8d: {  	s2 =	sadd.s32 s2, s16  }
0x8e: {  	[smem:$0x3FC0] =	sst s2  }
0x8f: {  	_ = 	snop  }
0x90: {  	(tm) =	ssettm $0x1  }
0x91: {  	s17 =	sld [smem:$0x3FFB];
	_ =	sdelay $0x3  }
0x92: {  	_ =	strace s17  }
0x93: {  	s2 =	sld [smem:$0x3FFC];
	_ =	sdelay $0x3  }
0x94: {  	_ =	strace s2  }
0x95: {  	s2 =	sld [smem:$0x3FFD];
	_ =	sdelay $0x3  }
0x96: {  	_ =	strace s2  }
0x97: {  	_ =	strace $0x8FFFFFFF  }
0x98: {  	s18 =	sld [smem:$0x3FDB];
	_ =	sdelay $0x1  }
0x99: {  	s19 =	simm.s32 $_scs_section_size  }
0x9a: {  	s4 =	simm.s32 $_size__tile_overlayer_lowered;
	s5 =	simm.s32 $_tile_overlayer_lowered  }
0x9b: {  	s22 =	simm.s32 $0x1BFF;
	s21 =	sshll.u32 s5, $0x1;
	s2 =	sadd.s32 s19, s18  }
0x9c: {  	s6 =	simm.s32 $0x0;
	s20 =	sshll.u32 s4, $0x1;
	s4 =	sadd.s32 s21, s2  }
0x9d: {  	[timem:s6], [sflag:s22] =	dma.local [hbm:s4], s20  }
0x9e: {  	_ =	swait.ge [sflag:s22], s20  }
0x9f: {  	s3 =	ssub.s32 $0x0, s20;
	[sflag:s22] =	ssyncset.done $0x0  }
0xa0: {  	[sflag:s22] =	ssyncadd.s32 s3;
	_ =	sdelay $0x1  }
0xa1: {  	s23 =	simm.s32 $0x1B8B  }
0xa2: {  	_ =	swait.ge [sflag:s23], $0x1  }
0xa3: {  	[sflag:s23] =	ssyncset.done $0x0  }
0xa4: {  	s25 =	simm.s32 $0x1B8E;
	s24 =	sld [smem:$0x3FFE];
	[sflag:s23] =	ssyncadd.s32 $0xFFFFFFFF  }
0xa5: {  	s26 =	simm.s32 $execute0_lowered;
	[smem:$0x3FD2] =	sst s25  }
0xa6: {  	s4 =	sshll.u32 s26, $0x1;
	_ =	strace $0x80000046;
	[dreg:$0x1] =	wrdreg $0xFFFFFFFF  }
0xa7: {  	s28 =	simm.s32 $_size_execute0_lowered;
	s2 =	sadd.s32 s2, s4;
	[dreg:$0x0] =	wrdreg $0x0  }
0xa8: {  	s4 =	sshll.u32 s28, $0x1;
	[dreg:$0x2] =	wrdreg s2  }
0xa9: {  	[dreg:$0x3] =	wrdreg s4  }
0xaa: {  	[dreg:$0x4] =	wrdreg $0xC0  }
0xab: {  	_ =	task [dreg:s6], $0x5FFFF  }
0xac: {  	[dreg:$0x1] =	wrdreg $0xFFFFFFFF  }
0xad: {  	[dreg:$0x0] =	wrdreg $0x60  }
0xae: {  	[dreg:$0x2] =	wrdreg s24  }
0xaf: {  	[dreg:$0x3] =	wrdreg $0x41000  }
0xb0: {  	[dreg:$0x4] =	wrdreg $0x9  }
0xb1: {  	_ =	task.clear_ibuf [dreg:s6], $0x5FFFF;
	_ =	strace $0x90000046  }
0xb2: {  	s29 =	simm.s32 $0x9;
	_ =	strace $0x80000048  }
0xb3: {  	_ =	swait.ge [sflag:s29], $0x1  }
0xb4: {  	[sflag:s29] =	ssyncadd.s32 $0xFFFFFFFF  }
0xb5: {  	_ =	strace $0x90000048  }
0xb6: {  	_ =	sfence  }
0xb7: {  	s30 =	sld [smem:$0x0];
	_ =	sdelay $0x2  }
0xb8: {  	s31 =	sshll.u32 s1, $0xD;
	s1 =	sshrl.u32 s1, $0x2  }
0xb9: {  	s3 =	sand.u32 $0x4000, s31;
	s1 =	sadd.s32 s1, s30  }
0xba: {  	s0 =	sor.u32 s3, s0;
	s1 =	sshll.u32 s1, $0x11  }
0xbb: {  	s0 =	sor.u32 s1, s0  }
0xbc: {  	s0 =	sadd.s32 $0x8F2B, s0  }
0xbd: {  	[sflag:s0] =	ssyncadd.remote.s32 $0x1  }
0xbe: {  	_ =	sfence.sel $0xFFFF  }
0xbf: {  	[dreg:$0x0] =	wrdreg $0xFFFFFFFF;
	(pc) =	sbr.abs _section_cstart, $3  }
0xc0: {  	[dreg:$0x1] =	wrdreg $0xFFFFFFFF  }
0xc1: {  	_ =	task.clear_ibuf [dreg:s6], $0x2FFFF;
	_ =	strace $0x9FFFFFFF  }
0xc2: {  	(tm) =	ssettm $0x7FFFFFFF  }
0xc3: {  	_ =	shalt  }
tec
execute0_lowered:
.L_overlay_start_1:
0x0: {  	(tag) =	ssettag $0x1  }
0x1: {  	s5 =	rddreg [dreg:$0x0]  }
0x2: {  	s2 =	rddreg [dreg:$0x1]  }
0x3: {  	s0 =	rddreg [dreg:$0x2]  }
0x4: {  	s3 =	simm.s32 $0x0;
	s1 =	stileid.u32;
	s4 =	srdreg.scid  }
0x5: {  	s15 =	simm.s32 $0x1;
	s16 =	simm.s32 $0x80;
	s17 =	simm.s32 $0x2  }
0x6: {  	s18 =	simm.s32 $0x0;
	[smem:$0x7FF] =	sst s3;
	s6 =	smul.u32 $0x2780, s1  }
0x7: {  	s7 =	sand.u32 $0x1, s4;
	s11 =	sadd.s32 $0x1E00, s5;
	s20 =	smul.u32 $0x4F000, s1  }
0x8: {  	s4 =	sadd.s32 $0x33800, s5;
	s10 =	sshll.u32 s1, $0x1;
	s13 =	smul.u32 $0x5000, s1  }
0x9: {  	s25 =	sshll.u32 s1, $0x6;
	_ =	strace $0x80000047;
	s8 =	smul.u32 $0x27800, s7  }
0xa: {  	s10 =	sor.u32 s7, s10;
	s21 =	ssub.s32 $0x2, s7;
	s24 =	smul.u32 $0x2800, s7  }
0xb: {  	s9 =	sadd.s32 s6, s5;
	s22 =	smul.u32 $0x2800, s10;
	s23 =	sshrl.u32 s21, $0x1  }
0xc: {  	s6 =	sadd.s32 s6, s8;
	s8 =	sshrl.u32 s20, $0x2;
	s10 =	ssub.s32 s21, s23  }
0xd: {  	s28 =	sadd.s32 s24, s13;
	s12 =	sadd.s32 s6, s5;
	s14 =	sadd.s32 s8, s2  }
0xe: {  	s5 =	sadd.s32 $0xC000, s9;
	s26 =	sshrl.u32 s22, $0x3;
	s6 =	sor.u32 $0x1C03, s25  }
0xf: {  	s29 =	sor.u32 $0x100, s28;
	s13 =	sor.u32 $0x80, s28;
	s9 =	smax.u32 s10, $0x1  }
0x10: {  	s7 =	sadd.s32 s11, s26;
	s8 =	sadd.s32 $0x34000, s12;
	s30 =	sshrl.u32 s29, $0x3  }
0x11: {  	s31 =	sshrl.u32 s13, $0x3;
	s12 =	sshrl.u32 s14, $0x3;
	s13 =	simm.s32 $0x3  }
0x12: {  	s14 =	simm.s32 $0x100;
	s10 =	sadd.s32 s30, s11;
	s11 =	sadd.s32 s31, s11  }
.LBB2_1:
0x13: {  	[spmem:s12], [sflag:s6] =	dma.local [hbm:s5], $0x2780  }
0x14: {  	_ =	swait.ge [sflag:s13], $0x2780  }
0x15: {  	[sflag:s13] =	ssyncset.done $0x0  }
0x16: {  	[sflag:s13] =	ssyncadd.s32 $0xFFFFD880  }
0x17: {  	[tilespmem:s14], [sflag:$0x3] =	stream.linear.gather [hbm4b:s4+s3], $0x4000, $0x38;
	[tilespmem:$0x17D00] =	vst v63  }
0x18: {  	_ =	swait.ge [sflag:s13], $0x4000  }
0x19: {  	[sflag:s13] =	ssyncset.done $0x0  }
0x1a: {  	[sflag:s13] =	ssyncadd.s32 $0xFFFFC000  }
0x1b: {  	[bflag:$0x0] =	sbarrier.arrive $0xFFFF  }
0x1c: {  	[tilespmem:s3], [sflag:$0x1] =	stream.linear.gather [hbm4b:s7+s3], $0x80, $0x38;
	[tilespmem:$0x17D00] =	vst v63  }
0x1d: {  	_ =	swait.ge [sflag:s15], $0x80  }
0x1e: {  	[sflag:s15] =	ssyncset.done $0x0  }
0x1f: {  	s19 =	sadd.s32 $0x0, s11;
	[sflag:s15] =	ssyncadd.s32 $0xFFFFFF80  }
0x20: {  	[tilespmem:s16], [sflag:$0x2] =	stream.linear.gather [hbm4b:s19+s3], $0x80, $0x38;
	[tilespmem:$0x17D00] =	vst v63  }
0x21: {  	_ = 	snop  }
0x22: {  	[spmem:s2] =	stream.indirect.scatter.add.f32 [tilespmem:s14], [sflag:$0x3], $0x80, s3, s16, $0xb8;
	[tilespmem:$0x17D00] =	vst v63  }
0x23: {  	_ =	swait.ge [sflag:s13], $0x4000  }
0x24: {  	[sflag:s13] =	ssyncset.done $0x0  }
0x25: {  	[sflag:s13] =	ssyncadd.s32 $0xFFFFC000  }
0x26: {  	_ =	swait.ge [sflag:s17], $0x80  }
0x27: {  	[sflag:s17] =	ssyncset.done $0x0  }
0x28: {  	s31 =	sadd.s32 $0x0, s10;
	[sflag:s17] =	ssyncadd.s32 $0xFFFFFF80  }
0x29: {  	[tilespmem:s3], [sflag:$0x1] =	stream.linear.gather [hbm4b:s31+s3], $0x80, $0x38;
	[tilespmem:$0x17D00] =	vst v63  }
0x2a: {  	_ = 	snop  }
0x2b: {  	[spmem:s2] =	stream.indirect.scatter.add.f32 [tilespmem:s14], [sflag:$0x3], $0x80, s16, s16, $0xb8;
	[tilespmem:$0x17D00] =	vst v63  }
0x2c: {  	_ =	swait.ge [sflag:s13], $0x4000  }
0x2d: {  	s19 =	simm.s32 $0x20;
	[sflag:s13] =	ssyncset.done $0x0  }
.LBB2_2:
0x2e: {  	p0 =	sne.s32 s19, $0x4E0  }
0x2f: {  	[sflag:s13] =	ssyncadd.s32 $0xFFFFC000;
	s20 =	smov.u32 s19;
	s19 =	sadd.s32 $0x20, s19  }
0x30: {  	_ = 	snop  }
0x31: {  	_ =	swait.ge [sflag:s15], $0x80  }
0x32: {  	[sflag:s15] =	ssyncset.done $0x0  }
0x33: {  	s21 =	sadd.s32 s20, s11;
	[sflag:s15] =	ssyncadd.s32 $0xFFFFFF80  }
0x34: {  	[tilespmem:s16], [sflag:$0x2] =	stream.linear.gather [hbm4b:s21+s3], $0x80, $0x38;
	[tilespmem:$0x17D00] =	vst v63  }
0x35: {  	_ = 	snop  }
0x36: {  	[spmem:s2] =	stream.indirect.scatter.add.f32 [tilespmem:s14], [sflag:$0x3], $0x80, s3, s16, $0xb8;
	[tilespmem:$0x17D00] =	vst v63  }
0x37: {  	_ =	swait.ge [sflag:s13], $0x4000  }
0x38: {  	[sflag:s13] =	ssyncset.done $0x0  }
0x39: {  	[sflag:s13] =	ssyncadd.s32 $0xFFFFC000  }
0x3a: {  	_ =	swait.ge [sflag:s17], $0x80  }
0x3b: {  	[sflag:s17] =	ssyncset.done $0x0  }
0x3c: {  	s20 =	sadd.s32 s20, s10;
	[sflag:s17] =	ssyncadd.s32 $0xFFFFFF80  }
0x3d: {  	[tilespmem:s3], [sflag:$0x1] =	stream.linear.gather [hbm4b:s20+s3], $0x80, $0x38;
	[tilespmem:$0x17D00] =	vst v63  }
.Ltmp0:
0x3e: {  	_ = 	snop;
	(pc) =	sbr.rel @p0 .LBB2_2-.Ltmp0, $4  }
0x3f: {  	_ = 	snop  }
0x40: {  	[spmem:s2] =	stream.indirect.scatter.add.f32 [tilespmem:s14], [sflag:$0x3], $0x80, s16, s16, $0xb8;
	[tilespmem:$0x17D00] =	vst v63  }
0x41: {  	_ =	swait.ge [sflag:s13], $0x4000  }
0x42: {  	[sflag:s13] =	ssyncset.done $0x0  }
0x43: {  	[sflag:s13] =	ssyncadd.s32 $0xFFFFC000  }
0x44: {  	_ =	swait.ge [sflag:s15], $0x80  }
0x45: {  	s18 =	sadd.s32 $0x1, s18;
	[sflag:s15] =	ssyncset.done $0x0  }
0x46: {  	p0 =	sne.s32 s18, s9;
	[sflag:s15] =	ssyncadd.s32 $0xFFFFFF80  }
.Ltmp1:
0x47: {  	[bflag:$0x0] =	sbarrier.arrive $0xFFFF;
	(pc) =	sbr.rel @p0 .LBB2_1-.Ltmp1, $4  }
0x48: {  	[hbm:s8], [sflag:s6] =	dma.local [spmem:s12], $0x2780  }
0x49: {  	_ =	swait.ge [sflag:s13], $0x2780  }
0x4a: {  	[sflag:s13] =	ssyncset.done $0x0  }
0x4b: {  	[sflag:s13] =	ssyncadd.s32 $0xFFFFD880  }
0x4c: {  	_ =	sfence.sel $0x180000  }
0x4d: {  	[bflag:$0x0] =	sbarrier.arrive $0xFFFF  }
0x4e: {  	p0 =	sne.s32 s1, $0x0;
	_ =	strace $0x90000047  }
0x4f: {  	s0 =	sadd.s32 @!p0 $0x100000, s0;
	[bflag:$0x2] =	sbarrier.arrive $0xFFFF  }
0x50: {  	[sflag:s0] =	ssyncadd.tile.s32 @!p0 $0x1;
	_ =	shalt  }
.Lfunc_end2:
_tile_overlayer_lowered:
.L_overlay_start_2:
0x51: {  	(tag) =	ssettag $0x2  }
0x52: {  	s0 =	rddreg [dreg:$0x0];
	s2 =	stileid.u32  }
0x53: {  	s1 =	rddreg [dreg:$0x1];
	p0 =	sne.s32 s2, $0x0  }
0x54: {  	s3 =	rddreg [dreg:$0x2];
	[bflag:$0x3] =	sbarrier.arrive $0xFFFF;
	s2 =	simm.s32 @!p0 $0x1C03  }
0x55: {  	[timem:s3], [sflag:s2] =	dma.local @!p0 [hbm:s0], s1  }
0x56: {  	s0 =	simm.s32 @!p0 $0x3  }
0x57: {  	_ =	swait.ge @!p0 [sflag:s0], s1  }
0x58: {  	s1 =	ssub.s32 @!p0 $0x0, s1;
	[sflag:s0] =	ssyncset.done @!p0 $0x0  }
0x59: {  	[sflag:s0] =	ssyncadd.s32 @!p0 s1  }
0x5a: {  	[bflag:$0x3] =	sbarrier.arrive $0xFFFF  }
0x5b: {  	_ =	shalt  }

// kernel: kernel.9.cloned.1.call-start
scs
__scs_entry_jumppad:
0x0: {  	(pc) =	sbr.rel $0x88, $3  }
0x1: {  	(tag) =	ssettag $0x0;
	lr =	simm.s32 $0x1  }
0x2: {  	[smem:$0x3F99] =	sst lr;
	_ =	strace $0xD0000000  }
0x3: {  	_ = 	snop  }
0x4: {  	_ = 	snop  }
0x5: {  	_ = 	snop  }
0x6: {  	_ = 	snop  }
0x7: {  	_ = 	snop  }
__scs_overlays_trampoline_lowered:
0x8: {  	[smem:$0x3FA8] =	sst s0  }
0x9: {  	[smem:$0x3FA9] =	sst s1  }
0xa: {  	[smem:$0x3FAA] =	sst s2  }
0xb: {  	[smem:$0x3FAB] =	sst s3  }
0xc: {  	[smem:$0x3FAC] =	sst s4  }
0xd: {  	[smem:$0x3FAD] =	sst s5  }
0xe: {  	[smem:$0x3FAE] =	sst s6  }
0xf: {  	[smem:$0x3FAF] =	sst s7  }
0x10: {  	[smem:$0x3FB0] =	sst s8  }
0x11: {  	[smem:$0x3FB1] =	sst s9;
	s0 =	simm.s32 @!p0 $0x0  }
0x12: {  	s1 =	sld [smem:$0x3F97];
	s0 =	simm.s32 @p0 $0x1  }
0x13: {  	[smem:$0x3FB2] =	sst s0;
	s0 =	simm.s32 @!p1 $0x0  }
0x14: {  	s2 =	sld [smem:$0x3F96];
	s0 =	simm.s32 @p1 $0x1  }
0x15: {  	[smem:$0x3FB3] =	sst s0;
	s0 =	simm.s32 @!p2 $0x0  }
0x16: {  	s3 =	sld [smem:$0x3FDB];
	s0 =	simm.s32 @p2 $0x1  }
0x17: {  	s4 =	simm.s32 $0x1BF5;
	[smem:$0x3FB5] =	sst s0  }
0x18: {  	s0 =	sld [smem:$0x3F98];
	_ =	swait.ge [sflag:s4], $0x0  }
0x19: {  	s7 =	sld [smem:$0x3F99]  }
0x1a: {  	s8 =	sadd.s32 $0xFFFFE003, lr  }
0x1b: {  	s9 =	sadd.s32 $0xFFFFFEF7, lr;
	s5 =	simm.s32 $0xFFFFFFFF;
	p2 =	slt.u32 s8, $0xFFFFF086  }
0x1c: {  	p1 =	slt.u32 s9, $0xF7A;
	s5 =	simm.s32 @!p2 $0x0  }
0x1d: {  	s5 =	simm.s32 @p1 $0x1;
	p0 =	seq.s32 s7, s2  }
0x1e: {  	s7 =	smul.u32 @!p0 $0xF7A, s2;
	p2 =	seq.s32 @!p0 s5, $0x0  }
0x1f: {  	s9 =	smul.u32 $0xF7A, s1;
	s8 =	simm.s32 @!p0 $0x1BF5;
	p2 =	por !p2, p0  }
0x20: {  	[sflag:s8] =	ssyncset.s32 @!p0 $0xFFFFF086;
	s6 =	sadd.s32 @!p0 s3, s7;
	s7 =	simm.s32 @!p0 $0x108  }
0x21: {  	s3 =	sadd.s32 s3, s9;
	s6 =	sadd.s32 @!p0 $0x88, s6;
	s7 =	simm.s32 @p2 $0x1082  }
0x22: {  	[simem:s7], [sflag:s8] =	dma.local @!p0 [hbm:s6], $0xF7A  }
0x23: {  	s9 =	sor.u32 $0xD0000000, s2;
	s6 =	simm.s32 $0x108;
	_ =	swait.ge @!p0 [sflag:s8], $0x0  }
0x24: {  	s3 =	sadd.s32 $0x88, s3;
	s6 =	simm.s32 @!p1 $0x1082;
	[sflag:s4] =	ssyncset.s32 $0xFFFFF086  }
0x25: {  	[simem:s6], [sflag:s4] =	dma.local [hbm:s3], $0xF7A  }
0x26: {  	[smem:$0x3F99] =	sst s1;
	(tag) =	ssettag s2;
	_ =	strace s9  }
0x27: {  	s1 =	sld [smem:$0x3FA9]  }
0x28: {  	s2 =	sld [smem:$0x3FAA]  }
0x29: {  	s4 =	sld [smem:$0x3FAC]  }
0x2a: {  	p0 =	seq.s32 s5, $0x0;
	s5 =	sld [smem:$0x3FAD]  }
0x2b: {  	s6 =	sld [smem:$0x3FAE]  }
0x2c: {  	s7 =	sld [smem:$0x3FAF]  }
0x2d: {  	s3 =	simm.s32 $0x108;
	s8 =	sld [smem:$0x3FB0]  }
0x2e: {  	s3 =	simm.s32 @!p0 $0x1082;
	s9 =	sld [smem:$0x3FB1]  }
0x2f: {  	lr =	sadd.s32 s0, s3;
	s0 =	sld [smem:$0x3FA8]  }
0x30: {  	s3 =	sld [smem:$0x3FAB]  }
0x31: {  	[smem:$0x3FB4] =	sst s10  }
0x32: {  	s10 =	sld [smem:$0x3FB2];
	_ =	sdelay $0x3  }
0x33: {  	p0 =	seq.s32 s10, $0x1;
	s10 =	sld [smem:$0x3FB4];
	_ =	sdelay $0x3  }
0x34: {  	[smem:$0x3FB4] =	sst s10  }
0x35: {  	s10 =	sld [smem:$0x3FB3];
	_ =	sdelay $0x3  }
0x36: {  	p1 =	seq.s32 s10, $0x1;
	s10 =	sld [smem:$0x3FB4];
	_ =	sdelay $0x3  }
0x37: {  	[smem:$0x3FB4] =	sst s10  }
0x38: {  	s10 =	sld [smem:$0x3FB5]  }
0x39: {  	_ = 	snop;
	(pc) =	sbr.ind lr, $3  }
0x3a: {  	_ = 	snop  }
0x3b: {  	_ = 	snop  }
0x3c: {  	p2 =	seq.s32 s10, $0x1;
	s10 =	sld [smem:$0x3FB4]  }
0x3d: {  	_ =	shalt  }
0x3e: {  	_ =	shalt  }
0x3f: {  	_ =	shalt  }
0x40: {  	_ =	shalt  }
0x41: {  	_ =	shalt  }
0x42: {  	_ =	shalt  }
0x43: {  	_ =	shalt  }
0x44: {  	_ =	shalt  }
0x45: {  	_ =	shalt  }
0x46: {  	_ =	shalt  }
0x47: {  	_ =	shalt  }
0x48: {  	_ =	shalt  }
0x49: {  	_ =	shalt  }
0x4a: {  	_ =	shalt  }
0x4b: {  	_ =	shalt  }
0x4c: {  	_ =	shalt  }
0x4d: {  	_ =	shalt  }
0x4e: {  	_ =	shalt  }
0x4f: {  	_ =	shalt  }
0x50: {  	_ =	shalt  }
0x51: {  	_ =	shalt  }
0x52: {  	_ =	shalt  }
0x53: {  	_ =	shalt  }
0x54: {  	_ =	shalt  }
0x55: {  	_ =	shalt  }
0x56: {  	_ =	shalt  }
0x57: {  	_ =	shalt  }
0x58: {  	_ =	shalt  }
0x59: {  	_ =	shalt  }
0x5a: {  	_ =	shalt  }
0x5b: {  	_ =	shalt  }
0x5c: {  	_ =	shalt  }
0x5d: {  	_ =	shalt  }
0x5e: {  	_ =	shalt  }
0x5f: {  	_ =	shalt  }
0x60: {  	_ =	shalt  }
0x61: {  	_ =	shalt  }
0x62: {  	_ =	shalt  }
0x63: {  	_ =	shalt  }
0x64: {  	_ =	shalt  }
0x65: {  	_ =	shalt  }
0x66: {  	_ =	shalt  }
0x67: {  	_ =	shalt  }
0x68: {  	_ =	shalt  }
0x69: {  	_ =	shalt  }
0x6a: {  	_ =	shalt  }
0x6b: {  	_ =	shalt  }
0x6c: {  	_ =	shalt  }
0x6d: {  	_ =	shalt  }
0x6e: {  	_ =	shalt  }
0x6f: {  	_ =	shalt  }
0x70: {  	_ =	shalt  }
0x71: {  	_ =	shalt  }
0x72: {  	_ =	shalt  }
0x73: {  	_ =	shalt  }
0x74: {  	_ =	shalt  }
0x75: {  	_ =	shalt  }
0x76: {  	_ =	shalt  }
0x77: {  	_ =	shalt  }
0x78: {  	_ =	shalt  }
0x79: {  	_ =	shalt  }
0x7a: {  	_ =	shalt  }
0x7b: {  	_ =	shalt  }
0x7c: {  	_ =	shalt  }
0x7d: {  	_ =	shalt  }
0x7e: {  	_ =	shalt  }
0x7f: {  	_ =	shalt  }
0x80: {  	_ =	shalt  }
0x81: {  	_ =	shalt  }
0x82: {  	_ =	shalt  }
0x83: {  	_ =	shalt  }
0x84: {  	_ =	shalt  }
0x85: {  	_ =	shalt  }
0x86: {  	_ =	shalt  }
0x87: {  	_ =	shalt  }
.Lfunc_end0:
.L_simem_size_0:
called_computation.1_lowered:
.L_overlay_start_0:
0x88: {  	s2 =	sld [smem:$0x3FD9]  }
0x89: {  	s3 =	sld [smem:$0x3FFE];
	_ =	sdelay $0x1  }
0x8a: {  	s1 =	srdreg.scid  }
0x8b: {  	s0 =	sand.u32 $0x1, s1  }
0x8c: {  	s16 =	sshll.u32 s0, $0xA;
	s2 =	sadd.s32 s3, s2  }
0x8d: {  	s2 =	sadd.s32 s2, s16  }
0x8e: {  	[smem:$0x3FC0] =	sst s2  }
0x8f: {  	_ = 	snop  }
0x90: {  	(tm) =	ssettm $0x1  }
0x91: {  	s17 =	sld [smem:$0x3FFB];
	_ =	sdelay $0x3  }
0x92: {  	_ =	strace s17  }
0x93: {  	s2 =	sld [smem:$0x3FFC];
	_ =	sdelay $0x3  }
0x94: {  	_ =	strace s2  }
0x95: {  	s2 =	sld [smem:$0x3FFD];
	_ =	sdelay $0x3  }
0x96: {  	_ =	strace s2  }
0x97: {  	_ =	strace $0x8FFFFFFF  }
0x98: {  	s18 =	sld [smem:$0x3FDB];
	_ =	sdelay $0x1  }
0x99: {  	s19 =	simm.s32 $_scs_section_size  }
0x9a: {  	s4 =	simm.s32 $_size__tile_overlayer_lowered;
	s5 =	simm.s32 $_tile_overlayer_lowered  }
0x9b: {  	s22 =	simm.s32 $0x1BFF;
	s21 =	sshll.u32 s5, $0x1;
	s2 =	sadd.s32 s19, s18  }
0x9c: {  	s6 =	simm.s32 $0x0;
	s20 =	sshll.u32 s4, $0x1;
	s4 =	sadd.s32 s21, s2  }
0x9d: {  	[timem:s6], [sflag:s22] =	dma.local [hbm:s4], s20  }
0x9e: {  	_ =	swait.ge [sflag:s22], s20  }
0x9f: {  	s3 =	ssub.s32 $0x0, s20;
	[sflag:s22] =	ssyncset.done $0x0  }
0xa0: {  	[sflag:s22] =	ssyncadd.s32 s3;
	_ =	sdelay $0x1  }
0xa1: {  	s23 =	simm.s32 $0x1B8B  }
0xa2: {  	_ =	swait.ge [sflag:s23], $0x1  }
0xa3: {  	[sflag:s23] =	ssyncset.done $0x0  }
0xa4: {  	s25 =	simm.s32 $0x1B8E;
	s24 =	sld [smem:$0x3FFE];
	[sflag:s23] =	ssyncadd.s32 $0xFFFFFFFF  }
0xa5: {  	s26 =	simm.s32 $execute0_lowered;
	[smem:$0x3FD2] =	sst s25  }
0xa6: {  	s4 =	sshll.u32 s26, $0x1;
	_ =	strace $0x80000049;
	[dreg:$0x1] =	wrdreg $0xFFFFFFFF  }
0xa7: {  	s28 =	simm.s32 $_size_execute0_lowered;
	s2 =	sadd.s32 s2, s4;
	[dreg:$0x0] =	wrdreg $0x0  }
0xa8: {  	s4 =	sshll.u32 s28, $0x1;
	[dreg:$0x2] =	wrdreg s2  }
0xa9: {  	[dreg:$0x3] =	wrdreg s4  }
0xaa: {  	[dreg:$0x4] =	wrdreg $0xC0  }
0xab: {  	_ =	task [dreg:s6], $0x5FFFF  }
0xac: {  	[dreg:$0x1] =	wrdreg $0xFFFFFFFF  }
0xad: {  	[dreg:$0x0] =	wrdreg $0x60  }
0xae: {  	[dreg:$0x2] =	wrdreg s24  }
0xaf: {  	[dreg:$0x3] =	wrdreg $0x82000  }
0xb0: {  	[dreg:$0x4] =	wrdreg $0x9  }
0xb1: {  	_ =	task.clear_ibuf [dreg:s6], $0x5FFFF;
	_ =	strace $0x90000049  }
0xb2: {  	s29 =	simm.s32 $0x9;
	_ =	strace $0x8000004B  }
0xb3: {  	_ =	swait.ge [sflag:s29], $0x1  }
0xb4: {  	[sflag:s29] =	ssyncadd.s32 $0xFFFFFFFF  }
0xb5: {  	_ =	strace $0x9000004B  }
0xb6: {  	_ =	sfence  }
0xb7: {  	s30 =	sld [smem:$0x0];
	_ =	sdelay $0x2  }
0xb8: {  	s31 =	sshll.u32 s1, $0xD;
	s1 =	sshrl.u32 s1, $0x2  }
0xb9: {  	s3 =	sand.u32 $0x4000, s31;
	s1 =	sadd.s32 s1, s30  }
0xba: {  	s0 =	sor.u32 s3, s0;
	s1 =	sshll.u32 s1, $0x11  }
0xbb: {  	s0 =	sor.u32 s1, s0  }
0xbc: {  	s0 =	sadd.s32 $0x8F2B, s0  }
0xbd: {  	[sflag:s0] =	ssyncadd.remote.s32 $0x1  }
0xbe: {  	_ =	sfence.sel $0xFFFF  }
0xbf: {  	[dreg:$0x0] =	wrdreg $0xFFFFFFFF;
	(pc) =	sbr.abs _section_cstart, $3  }
0xc0: {  	[dreg:$0x1] =	wrdreg $0xFFFFFFFF  }
0xc1: {  	_ =	task.clear_ibuf [dreg:s6], $0x2FFFF;
	_ =	strace $0x9FFFFFFF  }
0xc2: {  	(tm) =	ssettm $0x7FFFFFFF  }
0xc3: {  	_ =	shalt  }
tec
execute0_lowered:
.L_overlay_start_1:
0x0: {  	(tag) =	ssettag $0x1  }
0x1: {  	s5 =	rddreg [dreg:$0x0]  }
0x2: {  	s2 =	rddreg [dreg:$0x1]  }
0x3: {  	s3 =	simm.s32 $0x0;
	s1 =	stileid.u32;
	s4 =	srdreg.scid  }
0x4: {  	s20 =	simm.s32 $0x1;
	s21 =	simm.s32 $0x80;
	s28 =	simm.s32 $0x4  }
0x5: {  	s29 =	simm.s32 $0x0;
	[smem:$0x7FF] =	sst s3;
	s6 =	smul.u32 $0x2780, s1  }
0x6: {  	s7 =	sand.u32 $0x1, s4;
	s4 =	sadd.s32 $0x33800, s5;
	s16 =	sadd.s32 $0x83000, s5  }
0x7: {  	s15 =	sadd.s32 $0x1E00, s5;
	s22 =	smul.u32 $0x4F000, s1;
	s10 =	sshll.u32 s1, $0x1  }
0x8: {  	s26 =	smul.u32 $0x5000, s1;
	s30 =	sshll.u32 s1, $0x6;
	_ =	strace $0x8000004A  }
0x9: {  	s8 =	smul.u32 $0x27800, s7;
	s23 =	ssub.s32 $0x2, s7;
	s24 =	sor.u32 s7, s10  }
0xa: {  	s14 =	smul.u32 $0x2800, s7;
	s9 =	sadd.s32 s6, s5;
	s25 =	sshrl.u32 s23, $0x1  }
0xb: {  	s6 =	sadd.s32 s6, s8;
	s8 =	sshrl.u32 s22, $0x2;
	s12 =	ssub.s32 s23, s25  }
0xc: {  	s14 =	sadd.s32 s14, s26;
	s22 =	simm.s32 $0x200;
	s23 =	simm.s32 $0x180  }
0xd: {  	s25 =	simm.s32 $0x3;
	s26 =	simm.s32 $0x4200;
	s11 =	sadd.s32 s6, s5  }
0xe: {  	s6 =	smul.u32 $0x2800, s24;
	s17 =	sadd.s32 s8, s2;
	s5 =	sadd.s32 $0xC000, s9  }
0xf: {  	s31 =	sor.u32 $0x180, s14;
	s14 =	sor.u32 $0x100, s14;
	s12 =	smax.u32 s12, $0x1  }
0x10: {  	s24 =	simm.s32 $0x2;
	s11 =	sadd.s32 $0x8D200, s11;
	s18 =	sshrl.u32 s31, $0x3  }
0x11: {  	s19 =	sshrl.u32 s14, $0x3;
	s17 =	sshrl.u32 s17, $0x3;
	s13 =	sshrl.u32 s6, $0x3  }
0x12: {  	s7 =	sadd.s32 s16, s13;
	s8 =	sadd.s32 s15, s13;
	s13 =	sor.u32 $0x10, s13  }
0x13: {  	s6 =	sor.u32 $0x1C05, s30;
	s14 =	sadd.s32 s18, s16;
	s9 =	sadd.s32 s16, s13  }
0x14: {  	s10 =	sadd.s32 s15, s13;
	s13 =	sadd.s32 s18, s15;
	s15 =	sadd.s32 s19, s15  }
0x15: {  	s16 =	sadd.s32 s19, s16;
	s18 =	simm.s32 $0x5;
	s19 =	simm.s32 $0x100  }
.LBB2_1:
0x16: {  	[spmem:s17], [sflag:s6] =	dma.local [hbm:s5], $0x2780  }
0x17: {  	_ =	swait.ge [sflag:s18], $0x2780  }
0x18: {  	[sflag:s18] =	ssyncset.done $0x0  }
0x19: {  	[sflag:s18] =	ssyncadd.s32 $0xFFFFD880  }
0x1a: {  	[bflag:$0x0] =	sbarrier.arrive $0xFFFF  }
0x1b: {  	[tilespmem:s3], [sflag:$0x1] =	stream.linear.gather [hbm4b:s7+s3], $0x80, $0x38;
	[tilespmem:$0x1BE00] =	vst v63  }
0x1c: {  	_ = 	snop  }
0x1d: {  	[tilespmem:s19], [sflag:$0x1] =	stream.linear.gather [hbm4b:s8+s3], $0x80, $0x38;
	[tilespmem:$0x1BE00] =	vst v63  }
0x1e: {  	_ =	swait.ge [sflag:s20], $0x80  }
0x1f: {  	[sflag:s20] =	ssyncset.done $0x0  }
0x20: {  	[sflag:s20] =	ssyncadd.s32 $0xFFFFFF80  }
0x21: {  	_ =	swait.ge [sflag:s20], $0x80  }
0x22: {  	[sflag:s20] =	ssyncset.done $0x0  }
0x23: {  	[sflag:s20] =	ssyncadd.s32 $0xFFFFFF80  }
0x24: {  	[tilespmem:s22], [sflag:$0x3] =	stream.indirect.gather [hbm4b:s4+s21], $0x80, s3, s21, $0xb8;
	[tilespmem:$0x1BE00] =	vst v63  }
0x25: {  	_ = 	snop  }
0x26: {  	[tilespmem:s21], [sflag:$0x2] =	stream.linear.gather [hbm4b:s9+s3], $0x80, $0x38;
	[tilespmem:$0x1BE00] =	vst v63  }
0x27: {  	_ = 	snop  }
0x28: {  	[tilespmem:s23], [sflag:$0x2] =	stream.linear.gather [hbm4b:s10+s3], $0x80, $0x38;
	[tilespmem:$0x1BE00] =	vst v63  }
0x29: {  	_ =	swait.ge [sflag:s24], $0x80  }
0x2a: {  	[sflag:s24] =	ssyncset.done $0x0  }
0x2b: {  	[sflag:s24] =	ssyncadd.s32 $0xFFFFFF80  }
0x2c: {  	_ =	swait.ge [sflag:s24], $0x80  }
0x2d: {  	[sflag:s24] =	ssyncset.done $0x0  }
0x2e: {  	[sflag:s24] =	ssyncadd.s32 $0xFFFFFF80  }
0x2f: {  	_ =	swait.ge [sflag:s25], $0x4000  }
0x30: {  	[sflag:s25] =	ssyncset.done $0x0  }
0x31: {  	[sflag:s25] =	ssyncadd.s32 $0xFFFFC000  }
0x32: {  	[tilespmem:s26], [sflag:$0x4] =	stream.indirect.gather [hbm4b:s4+s21], $0x80, s21, s21, $0xb8;
	[tilespmem:$0x1BE00] =	vst v63  }
0x33: {  	_ = 	snop  }
0x34: {  	[spmem:s2] =	stream.indirect.scatter.add.f32 [tilespmem:s22], [sflag:$0x5], $0x80, s19, s21, $0xb8;
	[tilespmem:$0x1BE00] =	vst v63  }
0x35: {  	_ =	swait.ge [sflag:s18], $0x4000  }
0x36: {  	[sflag:s18] =	ssyncset.done $0x0  }
0x37: {  	s30 =	sadd.s32 $0x0, s16;
	[sflag:s18] =	ssyncadd.s32 $0xFFFFC000  }
0x38: {  	[tilespmem:s3], [sflag:$0x1] =	stream.linear.gather [hbm4b:s30+s3], $0x80, $0x38;
	[tilespmem:$0x1BE00] =	vst v63  }
0x39: {  	s30 =	sadd.s32 $0x0, s15  }
0x3a: {  	[tilespmem:s19], [sflag:$0x1] =	stream.linear.gather [hbm4b:s30+s3], $0x80, $0x38;
	[tilespmem:$0x1BE00] =	vst v63  }
0x3b: {  	_ =	swait.ge [sflag:s20], $0x80  }
0x3c: {  	[sflag:s20] =	ssyncset.done $0x0  }
0x3d: {  	[sflag:s20] =	ssyncadd.s32 $0xFFFFFF80  }
0x3e: {  	_ =	swait.ge [sflag:s20], $0x80  }
0x3f: {  	[sflag:s20] =	ssyncset.done $0x0  }
0x40: {  	[sflag:s20] =	ssyncadd.s32 $0xFFFFFF80  }
0x41: {  	_ =	swait.ge [sflag:s28], $0x4000  }
0x42: {  	[sflag:s28] =	ssyncset.done $0x0  }
0x43: {  	[sflag:s28] =	ssyncadd.s32 $0xFFFFC000  }
0x44: {  	[tilespmem:s22], [sflag:$0x3] =	stream.indirect.gather [hbm4b:s4+s21], $0x80, s3, s21, $0xb8;
	[tilespmem:$0x1BE00] =	vst v63  }
0x45: {  	_ = 	snop  }
0x46: {  	[spmem:s2] =	stream.indirect.scatter.add.f32 [tilespmem:s26], [sflag:$0x5], $0x80, s23, s21, $0xb8;
	[tilespmem:$0x1BE00] =	vst v63  }
0x47: {  	_ =	swait.ge [sflag:s18], $0x4000  }
0x48: {  	[sflag:s18] =	ssyncset.done $0x0  }
0x49: {  	s30 =	sadd.s32 $0x0, s14;
	[sflag:s18] =	ssyncadd.s32 $0xFFFFC000  }
0x4a: {  	[tilespmem:s21], [sflag:$0x2] =	stream.linear.gather [hbm4b:s30+s3], $0x80, $0x38;
	[tilespmem:$0x1BE00] =	vst v63  }
0x4b: {  	s31 =	sadd.s32 $0x0, s13;
	s30 =	simm.s32 $0x20  }
.LBB2_2:
0x4c: {  	[tilespmem:s23], [sflag:$0x2] =	stream.linear.gather [hbm4b:s31+s3], $0x80, $0x38;
	[tilespmem:$0x1BE00] =	vst v63  }
0x4d: {  	s31 =	smov.u32 s30  }
0x4e: {  	p0 =	sne.s32 s30, $0x4E0;
	s30 =	sadd.s32 $0x20, s30;
	_ =	swait.ge [sflag:s24], $0x80  }
0x4f: {  	[sflag:s24] =	ssyncset.done $0x0  }
0x50: {  	[sflag:s24] =	ssyncadd.s32 $0xFFFFFF80  }
0x51: {  	_ =	swait.ge [sflag:s24], $0x80  }
0x52: {  	[sflag:s24] =	ssyncset.done $0x0  }
0x53: {  	[sflag:s24] =	ssyncadd.s32 $0xFFFFFF80  }
0x54: {  	_ =	swait.ge [sflag:s25], $0x4000  }
0x55: {  	[sflag:s25] =	ssyncset.done $0x0  }
0x56: {  	[sflag:s25] =	ssyncadd.s32 $0xFFFFC000  }
0x57: {  	[tilespmem:s26], [sflag:$0x4] =	stream.indirect.gather [hbm4b:s4+s21], $0x80, s21, s21, $0xb8;
	[tilespmem:$0x1BE00] =	vst v63  }
0x58: {  	_ = 	snop  }
0x59: {  	[spmem:s2] =	stream.indirect.scatter.add.f32 [tilespmem:s22], [sflag:$0x5], $0x80, s19, s21, $0xb8;
	[tilespmem:$0x1BE00] =	vst v63  }
0x5a: {  	_ =	swait.ge [sflag:s18], $0x4000  }
0x5b: {  	[sflag:s18] =	ssyncset.done $0x0  }
0x5c: {  	s0 =	sadd.s32 s31, s16;
	[sflag:s18] =	ssyncadd.s32 $0xFFFFC000  }
0x5d: {  	[tilespmem:s3], [sflag:$0x1] =	stream.linear.gather [hbm4b:s0+s3], $0x80, $0x38;
	[tilespmem:$0x1BE00] =	vst v63  }
0x5e: {  	s0 =	sadd.s32 s31, s15  }
0x5f: {  	[tilespmem:s19], [sflag:$0x1] =	stream.linear.gather [hbm4b:s0+s3], $0x80, $0x38;
	[tilespmem:$0x1BE00] =	vst v63  }
0x60: {  	_ =	swait.ge [sflag:s20], $0x80  }
0x61: {  	[sflag:s20] =	ssyncset.done $0x0  }
0x62: {  	[sflag:s20] =	ssyncadd.s32 $0xFFFFFF80  }
0x63: {  	_ =	swait.ge [sflag:s20], $0x80  }
0x64: {  	[sflag:s20] =	ssyncset.done $0x0  }
0x65: {  	[sflag:s20] =	ssyncadd.s32 $0xFFFFFF80  }
0x66: {  	_ =	swait.ge [sflag:s28], $0x4000  }
0x67: {  	[sflag:s28] =	ssyncset.done $0x0  }
0x68: {  	[sflag:s28] =	ssyncadd.s32 $0xFFFFC000  }
0x69: {  	[tilespmem:s22], [sflag:$0x3] =	stream.indirect.gather [hbm4b:s4+s21], $0x80, s3, s21, $0xb8;
	[tilespmem:$0x1BE00] =	vst v63  }
0x6a: {  	_ = 	snop  }
0x6b: {  	[spmem:s2] =	stream.indirect.scatter.add.f32 [tilespmem:s26], [sflag:$0x5], $0x80, s23, s21, $0xb8;
	[tilespmem:$0x1BE00] =	vst v63  }
.Ltmp0:
0x6c: {  	_ =	swait.ge [sflag:s18], $0x4000;
	(pc) =	sbr.rel @p0 .LBB2_2-.Ltmp0, $4  }
0x6d: {  	[sflag:s18] =	ssyncset.done $0x0  }
0x6e: {  	s0 =	sadd.s32 s31, s14;
	[sflag:s18] =	ssyncadd.s32 $0xFFFFC000  }
0x6f: {  	[tilespmem:s21], [sflag:$0x2] =	stream.linear.gather [hbm4b:s0+s3], $0x80, $0x38;
	[tilespmem:$0x1BE00] =	vst v63  }
0x70: {  	s31 =	sadd.s32 s31, s13  }
0x71: {  	[tilespmem:s23], [sflag:$0x2] =	stream.linear.gather [hbm4b:s31+s3], $0x80, $0x38;
	[tilespmem:$0x1BE00] =	vst v63  }
0x72: {  	_ =	swait.ge [sflag:s25], $0x4000  }
0x73: {  	[sflag:s25] =	ssyncset.done $0x0  }
0x74: {  	[sflag:s25] =	ssyncadd.s32 $0xFFFFC000  }
0x75: {  	_ =	swait.ge [sflag:s24], $0x80  }
0x76: {  	[sflag:s24] =	ssyncset.done $0x0  }
0x77: {  	[sflag:s24] =	ssyncadd.s32 $0xFFFFFF80  }
0x78: {  	_ =	swait.ge [sflag:s24], $0x80  }
0x79: {  	s29 =	sadd.s32 $0x1, s29;
	[sflag:s24] =	ssyncset.done $0x0  }
0x7a: {  	p0 =	sne.s32 s29, s12;
	[sflag:s24] =	ssyncadd.s32 $0xFFFFFF80  }
.Ltmp1:
0x7b: {  	[bflag:$0x0] =	sbarrier.arrive $0xFFFF;
	(pc) =	sbr.rel @p0 .LBB2_1-.Ltmp1, $4  }
0x7c: {  	[hbm:s11], [sflag:s6] =	dma.local [spmem:s17], $0x2780  }
0x7d: {  	_ =	swait.ge [sflag:s18], $0x2780  }
0x7e: {  	[sflag:s18] =	ssyncset.done $0x0  }
0x7f: {  	[sflag:s18] =	ssyncadd.s32 $0xFFFFD880  }
0x80: {  	_ =	sfence.sel $0x180000  }
0x81: {  	[bflag:$0x0] =	sbarrier.arrive $0xFFFF  }
0x82: {  	_ =	strace $0x9000004A  }
0x83: {  	[bflag:$0x2] =	sbarrier.arrive $0xFFFF  }
0x84: {  	p0 =	sne.s32 s1, $0x0;
	s0 =	rddreg [dreg:$0x2]  }
0x85: {  	s0 =	sadd.s32 @!p0 $0x100000, s0  }
0x86: {  	[sflag:s0] =	ssyncadd.tile.s32 @!p0 $0x1;
	_ =	shalt  }
.Lfunc_end2:
_tile_overlayer_lowered:
.L_overlay_start_2:
0x87: {  	(tag) =	ssettag $0x2  }
0x88: {  	s0 =	rddreg [dreg:$0x0];
	s2 =	stileid.u32  }
0x89: {  	s1 =	rddreg [dreg:$0x1];
	p0 =	sne.s32 s2, $0x0  }
0x8a: {  	s3 =	rddreg [dreg:$0x2];
	[bflag:$0x3] =	sbarrier.arrive $0xFFFF;
	s2 =	simm.s32 @!p0 $0x1C05  }
0x8b: {  	[timem:s3], [sflag:s2] =	dma.local @!p0 [hbm:s0], s1  }
0x8c: {  	s0 =	simm.s32 @!p0 $0x5  }
0x8d: {  	_ =	swait.ge @!p0 [sflag:s0], s1  }
0x8e: {  	s1 =	ssub.s32 @!p0 $0x0, s1;
	[sflag:s0] =	ssyncset.done @!p0 $0x0  }
0x8f: {  	[sflag:s0] =	ssyncadd.s32 @!p0 s1  }
0x90: {  	[bflag:$0x3] =	sbarrier.arrive $0xFFFF  }
0x91: {  	_ =	shalt  }

</sc_bundles>
